<compile_context>
chip_gen: v7x
topology: tpu7x:2x2x1
jax: 0.10.2.dev20260603
libtpu: 0.0.44.dev20260713+nightly
codegen_flags: <defaults>
</compile_context>

<pallas_src>
import functools

import jax
import jax.numpy as jnp
from jax import lax
from jax.experimental import pallas as pl
from jax.experimental.pallas import tpu as pltpu
from jax.experimental.pallas import tpu_sc as plsc

B, N, D, E = 2, 2048, 1024, 8
TOP_K = 2
NUM_EXPERTS_B = 4
FLOOR = min(0.05, 0.15 / max(NUM_EXPERTS_B, 1))
ALPHA = min(FLOOR * E, 1.0)
CAP_LOW, CAP_HIGH, T_MAX = 0.5, 0.6, 1000
NT = B * N
H = D // 2
K_SEL = min(max(1, N * TOP_K // E), N)
BT = 512
NBLK = NT // BT
INT_MIN = -2147483648
NROW = B * E
L = 16
NCH = N // L



def _logits_body(tok_ref, xyzT_ref, xyzTb_ref, W1_ref, b1_ref,
                 W2_ref, b2c_ref, centers_ref, logitsT_ref,
                 distsT_s, W1b_s, inv_s):
    i = pl.program_id(0)

    @pl.when(i == 0)
    def _prologue():
        W1b_s[...] = W1_ref[...].astype(jnp.bfloat16)
        d2 = jnp.zeros((E, NT), jnp.float32)
        for j in range(3):
            xr = xyzT_ref[j:j + 1, :]
            cc = centers_ref[:, j:j + 1]
            diff = cc - xr
            d2 = d2 + diff * diff
        dTmat = jnp.sqrt(d2)
        distsT_s[...] = dTmat
        mean = jnp.sum(dTmat) / (B * N * E)
        inv_s[0, 0] = 1.0 / (mean + 1e-6)

    inv = inv_s[0, 0]
    xslice = xyzTb_ref[:, pl.ds(i * BT, BT)]
    pre = lax.dot_general(tok_ref[...].astype(jnp.bfloat16), W1b_s[:, :D],
                          (((1,), (1,)), ((), ())),
                          preferred_element_type=jnp.float32)
    pre = pre + lax.dot_general(xslice, W1b_s[:, D:],
                                (((0,), (1,)), ((), ())),
                                preferred_element_type=jnp.float32)
    pre = pre + b1_ref[...]
    h = 0.5 * pre * (1.0 + lax.erf(pre * (2.0 ** -0.5)))
    contentT = lax.dot_general(W2_ref[...].astype(jnp.bfloat16),
                               h.astype(jnp.bfloat16),
                               (((1,), (1,)), ((), ())),
                               preferred_element_type=jnp.float32)
    contentT = contentT + b2c_ref[...]
    aff = distsT_s[:, pl.ds(i * BT, BT)] * (-inv)
    lT = contentT + aff
    b = i // (N // BT)
    off = (i % (N // BT)) * BT
    logitsT_ref[pl.ds(b * E, E), pl.ds(off, BT)] = lT



def _sc_select_body(logitsT_hbm, out_hbm, row_v, keys_v, disp_v):
    wid = lax.axis_index("s") * 2 + lax.axis_index("c")

    @pl.when(wid < NROW)
    def _():
        pltpu.sync_copy(logitsT_hbm.at[wid], row_v)

        @plsc.parallel_loop(0, NCH, unroll=8)
        def _keys(j):
            x = row_v[pl.ds(j * L, L)]
            bits = lax.bitcast_convert_type(x, jnp.int32)
            key = jnp.where(bits < 0, jnp.int32(INT_MIN) - bits, bits)
            keys_v[pl.ds(j * L, L)] = key

        def count_ge(candv):
            def cbody(j, acc):
                kc = keys_v[pl.ds(j * L, L)]
                return acc + plsc.all_reduce_population_count(kc >= candv)
            return plsc.parallel_loop(
                0, NCH, unroll=8,
                carry=jnp.zeros((L,), jnp.int32))(cbody)

        kkv = jnp.full((L,), K_SEL, jnp.int32)
        zerov = jnp.zeros((L,), jnp.int32)
        minv = jnp.full((L,), INT_MIN, jnp.int32)
        T0 = jnp.where(count_ge(zerov) >= kkv, zerov, minv)

        def bs(it, T):
            bit = 30 - it
            cand = T | (zerov + lax.shift_left(jnp.int32(1), bit))
            return jnp.where(count_ge(cand) >= kkv, cand, T)

        T = lax.fori_loop(0, 31, bs, T0)

        def count_gt(candv):
            def cbody(j, acc):
                kc = keys_v[pl.ds(j * L, L)]
                return acc + plsc.all_reduce_population_count(kc > candv)
            return plsc.parallel_loop(
                0, NCH, unroll=8,
                carry=jnp.zeros((L,), jnp.int32))(cbody)

        rr = kkv - count_gt(T)

        def count_eq_lt(Iv):
            def cbody(j, acc):
                kc = keys_v[pl.ds(j * L, L)]
                idxc = lax.iota(jnp.int32, L) + j * L
                m = (kc == T) & (idxc < Iv)
                return acc + plsc.all_reduce_population_count(m)
            return plsc.parallel_loop(
                0, NCH, unroll=8,
                carry=jnp.zeros((L,), jnp.int32))(cbody)

        nv = jnp.full((L,), N, jnp.int32)

        def jpb(it, J):
            bit = 11 - it
            cand = J | (zerov + lax.shift_left(jnp.int32(1), bit))
            ok = (cand <= nv) & (count_eq_lt(cand) < rr)
            return jnp.where(ok, cand, J)

        Jp = lax.fori_loop(0, 12, jpb, zerov)

        @plsc.parallel_loop(0, NCH, unroll=8)
        def _fill(j):
            x = row_v[pl.ds(j * L, L)]
            kc = keys_v[pl.ds(j * L, L)]
            idxc = lax.iota(jnp.int32, L) + j * L
            sel = (kc > T) | ((kc == T) & (idxc <= Jp))
            sig = 1.0 / (1.0 + jnp.exp(-x))
            disp_v[pl.ds(j * L, L)] = jnp.where(sel, sig, 0.0)
        pltpu.sync_copy(disp_v, out_hbm.at[wid])


def _sc_select(logitsT):
    mesh = plsc.VectorSubcoreMesh(core_axis_name="c", subcore_axis_name="s")
    fn = functools.partial(
        pl.kernel,
        mesh=mesh,
        compiler_params=pltpu.CompilerParams(needs_layout_passes=False),
        out_type=jax.ShapeDtypeStruct((NROW, N), jnp.float32),
        scratch_types=[
            pltpu.VMEM((N,), jnp.float32),
            pltpu.VMEM((N,), jnp.int32),
            pltpu.VMEM((N,), jnp.float32),
        ],
    )(_sc_select_body)
    return fn(logitsT)



def _finish_body(d0_ref, t_ref, dT_ref, cT_ref):
    d0 = d0_ref[...]
    d1 = (1.0 - ALPHA) * d0 + (ALPHA / E)
    t0 = t_ref[0].astype(jnp.float32)
    t1 = t_ref[1].astype(jnp.float32)
    cap0 = CAP_LOW + (CAP_HIGH + CAP_LOW) * (t0 / T_MAX)
    cap1 = CAP_LOW + (CAP_HIGH + CAP_LOW) * (t1 / T_MAX)
    riota = lax.broadcasted_iota(jnp.int32, (NROW, 1), 0)
    cap = jnp.where(riota < E, cap0, cap1)

    def bsum(X):
        s0 = jnp.sum(X[0:E, :], axis=0, keepdims=True)
        s1 = jnp.sum(X[E:2 * E, :], axis=0, keepdims=True)
        return jnp.concatenate([jnp.broadcast_to(s0, (E, N)),
                                jnp.broadcast_to(s1, (E, N))], axis=0)

    excess = jnp.maximum(d1 - cap, 0.0)
    capped = d1 - excess
    headroom = jnp.maximum(cap - capped, 0.0)
    hsum = jnp.maximum(bsum(headroom), 1e-8)
    capped = capped + bsum(excess) * (headroom / hsum)
    dT_ref[...] = capped
    cT_ref[...] = capped / (bsum(capped) + 1e-8)


@jax.jit
def kernel(tokens, spatial_xyz, W1, b1, W2, b2, centers, t):
    tok = tokens.reshape(NT, D)
    xyzT = spatial_xyz.reshape(NT, 3).T
    xyzTb = xyzT.astype(jnp.bfloat16)
    b1r = b1.reshape(1, H)
    b2c = b2.reshape(E, 1)

    logitsT = pl.pallas_call(
        _logits_body,
        grid=(NBLK,),
        in_specs=[
            pl.BlockSpec((BT, D), lambda i: (i, 0)),
            pl.BlockSpec((3, NT), lambda i: (0, 0)),
            pl.BlockSpec((3, NT), lambda i: (0, 0)),
            pl.BlockSpec((H, D + 3), lambda i: (0, 0)),
            pl.BlockSpec((1, H), lambda i: (0, 0)),
            pl.BlockSpec((E, H), lambda i: (0, 0)),
            pl.BlockSpec((E, 1), lambda i: (0, 0)),
            pl.BlockSpec((E, 3), lambda i: (0, 0)),
        ],
        out_specs=pl.BlockSpec((NROW, N), lambda i: (0, 0)),
        out_shape=jax.ShapeDtypeStruct((NROW, N), jnp.float32),
        scratch_shapes=[
            pltpu.VMEM((E, NT), jnp.float32),
            pltpu.VMEM((H, D + 3), jnp.bfloat16),
            pltpu.SMEM((1, 1), jnp.float32),
        ],
    )(tok, xyzT, xyzTb, W1, b1r, W2, b2c, centers)

    d0 = _sc_select(logitsT)

    dT, cT = pl.pallas_call(
        _finish_body,
        grid=(1,),
        in_specs=[
            pl.BlockSpec((NROW, N), lambda i: (0, 0)),
            pl.BlockSpec(memory_space=pltpu.SMEM),
        ],
        out_specs=[
            pl.BlockSpec((NROW, N), lambda i: (0, 0)),
            pl.BlockSpec((NROW, N), lambda i: (0, 0)),
        ],
        out_shape=[
            jax.ShapeDtypeStruct((NROW, N), jnp.float32),
            jax.ShapeDtypeStruct((NROW, N), jnp.float32),
        ],
    )(d0, t)

    dispatch = dT.reshape(B, E, N).transpose(0, 2, 1)
    combine = cT.reshape(B, E, N).transpose(0, 2, 1)
    return (dispatch, combine)

# --- scband reference (transcript-rebuilt; emitter-appended) ---
"""Pipeline reference for scband-group-arouter-78288663872327 (READ-ONLY COPY).

The authoritative reference and input builder live on the scoring server;
editing this copy changes nothing except your own understanding.
"""

import jax, jax.numpy as jnp
import numpy as np

B, N, D, E = 2, 2048, 1024, 8
TOP_K = 2
NUM_EXPERTS_B = 4  # MoEConfig default, used for routing_floor
FLOOR = min(0.05, 0.15 / max(NUM_EXPERTS_B, 1))  # budget-aware routing floor = 0.0375
CAP_LOW, CAP_HIGH, T_MAX = 0.5, 0.6, 1000


def setup_inputs(seed: int = 0) -> dict:
    key = jax.random.key(seed)
    ks = jax.random.split(key, 8)
    tokens = jax.random.normal(ks[0], (B, N, D), dtype=jnp.float32)
    spatial_xyz = jax.random.normal(ks[1], (B, N, 3), dtype=jnp.float32)
    t = jax.random.randint(ks[2], (B,), 0, T_MAX)
    H = D // 2
    # gate_proj: Linear(D+3 -> D//2), GELU, Linear(D//2 -> E)
    W1 = jax.random.normal(ks[3], (H, D + 3), dtype=jnp.float32) / np.sqrt(D + 3)
    b1 = jnp.zeros((H,), dtype=jnp.float32)
    W2 = jax.random.normal(ks[4], (E, H), dtype=jnp.float32) / np.sqrt(H)
    b2 = jnp.zeros((E,), dtype=jnp.float32)
    centers = jax.random.normal(ks[5], (E, 3), dtype=jnp.float32) * 10.0
    return {"tokens": tokens, "spatial_xyz": spatial_xyz, "W1": W1, "b1": b1,
            "W2": W2, "b2": b2, "centers": centers, "t": t}


def reference(tokens, spatial_xyz, W1, b1, W2, b2, centers, t):
    # spatial affinity via pairwise euclidean distance (torch.cdist equivalent)
    diff = spatial_xyz[:, :, None, :] - centers[None, None, :, :]  # (B,N,E,3)
    dists = jnp.sqrt(jnp.sum(diff * diff, axis=-1))  # (B,N,E)
    spatial_affinity = -dists / (dists.mean() + 1e-06)
    # gate MLP
    gate_input = jnp.concatenate([tokens, spatial_xyz], axis=-1)  # (B,N,D+3)
    h = jax.nn.gelu(gate_input @ W1.T + b1, approximate=False)
    content_logits = h @ W2.T + b2  # (B,N,E)
    logits = content_logits + spatial_affinity
    expert_logits = jnp.swapaxes(logits, 1, 2)  # (B,E,N)
    tokens_per_expert = max(1, N * TOP_K // E)
    k = min(tokens_per_expert, N)
    topk_vals, topk_idx = jax.lax.top_k(expert_logits, k)  # (B,E,k)
    dispatch = jnp.zeros((B, E, N), dtype=jnp.float32)
    bi = jnp.arange(B)[:, None, None]
    ei = jnp.arange(E)[None, :, None]
    dispatch = dispatch.at[bi, ei, topk_idx].set(jax.nn.sigmoid(topk_vals))
    dispatch = jnp.swapaxes(dispatch, 1, 2)  # (B,N,E)
    # routing floor
    alpha = min(FLOOR * E, 1.0)
    dispatch = (1.0 - alpha) * dispatch + alpha * (1.0 / E)
    # token-level hard cap (no gradient, faithful to torch.no_grad)
    cap = CAP_LOW + (CAP_HIGH + CAP_LOW) * (t.astype(jnp.float32) / T_MAX)  # (B,)
    cap = cap[:, None, None]
    capped = dispatch
    excess = jax.nn.relu(capped - cap)
    capped = capped - excess
    headroom = jax.nn.relu(cap - capped)
    headroom_sum = jnp.clip(headroom.sum(-1, keepdims=True), 1e-08, None)
    redistribution = excess.sum(-1, keepdims=True) * (headroom / headroom_sum)
    capped = capped + redistribution
    dispatch = jax.lax.stop_gradient(capped)
    combine = dispatch / (dispatch.sum(-1, keepdims=True) + 1e-08)
    return (dispatch, combine)

if __name__ == "__main__":
    import jax
    _d = setup_inputs()
    print(jax.jit(kernel)(*tuple(_d.values())))

</pallas_src>

<mosaic_0001>
#map = affine_map<(d0, d1) -> (0, 0)>
module attributes {stable_mosaic.version = 14 : i64} {
  func.func @_sc_select_body(%arg0: i32, %arg1: i32, %arg2: memref<16x2048xf32, #tpu.memory_space<hbm>>, %arg3: memref<16x2048xf32, #tpu.memory_space<hbm>>, %arg4: memref<2048xf32, #tpu.memory_space<vmem>>, %arg5: memref<2048xi32, #tpu.memory_space<vmem>>, %arg6: memref<2048xf32, #tpu.memory_space<vmem>>) attributes {dimension_semantics = [#tpu.dimension_semantics<core_parallel>, #tpu.dimension_semantics<subcore_parallel>], iteration_bounds = array<i64: 2, 16>, scalar_prefetch = 0 : i64, scratch_operands = 3 : i64, tpu.core_type = #tpu.core_type<sc_vector_subcore>, window_params = [{transform_indices = #map}, {transform_indices = #map}]} {
    %mul3A = arith.constant 2 : i32
    %mul3A_0 = arith.muli %arg1, %mul3A : i32
    %add3A = arith.addi %mul3A_0, %arg0 : i32
    %lt3A = arith.constant 16 : i32
    %lt3A_1 = arith.cmpi slt, %add3A, %lt3A : i32
    %convert_element_type3A = arith.extui %lt3A_1 : i1 to i32
    %cond3A = arith.constant 0 : i32
    %cond3A_2 = arith.cmpi ne, %convert_element_type3A, %cond3A : i32
    scf.if %cond3A_2 {
      "tpu.region"() ({
        %run_scoped3A = tpu.sem_alloc : memref<!tpu.dma_semaphore, #tpu.memory_space<semaphore_mem>>
        %dma_start3A = arith.constant 0 : i32
        %dma_start3A_38 = tpu.memref_slice %arg2[%add3A, %dma_start3A] : memref<16x2048xf32, #tpu.memory_space<hbm>> -> memref<1x2048xf32, #tpu.memory_space<hbm>>
        %dma_start3A_39 = tpu.memref_squeeze %dma_start3A_38 : memref<1x2048xf32, #tpu.memory_space<hbm>> -> memref<2048xf32, #tpu.memory_space<hbm>>
        %dma_start3A_40 = arith.constant 0 : i32
        %dma_start3A_41 = tpu.memref_slice %arg2[%add3A, %dma_start3A_40] : memref<16x2048xf32, #tpu.memory_space<hbm>> -> memref<1x2048xf32, #tpu.memory_space<hbm>>
        %dma_start3A_42 = tpu.memref_squeeze %dma_start3A_41 : memref<1x2048xf32, #tpu.memory_space<hbm>> -> memref<2048xf32, #tpu.memory_space<hbm>>
        tpu.enqueue_dma source(%dma_start3A_42 : memref<2048xf32, #tpu.memory_space<hbm>>) target(%arg4 : memref<2048xf32, #tpu.memory_space<vmem>>) target_semaphore(%run_scoped3A : memref<!tpu.dma_semaphore, #tpu.memory_space<semaphore_mem>>)
        %dma_wait3A = arith.constant 0 : i32
        %dma_wait3A_43 = tpu.memref_slice %arg2[%add3A, %dma_wait3A] : memref<16x2048xf32, #tpu.memory_space<hbm>> -> memref<1x2048xf32, #tpu.memory_space<hbm>>
        %dma_wait3A_44 = tpu.memref_squeeze %dma_wait3A_43 : memref<1x2048xf32, #tpu.memory_space<hbm>> -> memref<2048xf32, #tpu.memory_space<hbm>>
        %dma_wait3A_45 = arith.constant 0 : i32
        %dma_wait3A_46 = tpu.memref_slice %arg2[%add3A, %dma_wait3A_45] : memref<16x2048xf32, #tpu.memory_space<hbm>> -> memref<1x2048xf32, #tpu.memory_space<hbm>>
        %dma_wait3A_47 = tpu.memref_squeeze %dma_wait3A_46 : memref<1x2048xf32, #tpu.memory_space<hbm>> -> memref<2048xf32, #tpu.memory_space<hbm>>
        tpu.wait_dma2 semaphore(%run_scoped3A : memref<!tpu.dma_semaphore, #tpu.memory_space<semaphore_mem>>) src(%dma_wait3A_47 : memref<2048xf32, #tpu.memory_space<hbm>>) dst(%arg4 : memref<2048xf32, #tpu.memory_space<vmem>>)
        tpu.yield
      }) : () -> ()
      %parallel_loop3A = arith.constant 0 : i32
      %parallel_loop3A_3 = arith.constant 128 : i32
      %parallel_loop3A_4 = arith.constant 1 : i32
      scf.for %parallel_loop3A_38 = %parallel_loop3A to %parallel_loop3A_3 step %parallel_loop3A_4  : i32 {
        %parallel_loop3A_39 = arith.constant 16 : i32
        %parallel_loop3A_40 = arith.muli %parallel_loop3A_38, %parallel_loop3A_39 : i32
        %parallel_loop3A_41 = arith.index_cast %parallel_loop3A_40 : i32 to index
        %parallel_loop3A_42 = tpu.vector_load %arg4[%parallel_loop3A_41] {strides = array<i32>} : memref<2048xf32, #tpu.memory_space<vmem>>, vector<16xf32>,
        %parallel_loop3A_43 = tpu.bitcast %parallel_loop3A_42 : vector<16xf32> -> vector<16xi32>
        %parallel_loop3A_44 = arith.constant 0 : i32
        %parallel_loop3A_45 = vector.broadcast %parallel_loop3A_44 : i32 to vector<16xi32>
        %parallel_loop3A_46 = arith.cmpi slt, %parallel_loop3A_43, %parallel_loop3A_45 : vector<16xi32>
        %parallel_loop3A_47 = arith.constant -2147483648 : i32
        %parallel_loop3A_48 = vector.broadcast %parallel_loop3A_47 : i32 to vector<16xi32>
        %parallel_loop3A_49 = arith.subi %parallel_loop3A_48, %parallel_loop3A_43 : vector<16xi32>
        %parallel_loop3A_50 = arith.select %parallel_loop3A_46, %parallel_loop3A_49, %parallel_loop3A_43 : vector<16xi1>, vector<16xi32>
        %parallel_loop3A_51 = arith.constant 16 : i32
        %parallel_loop3A_52 = arith.muli %parallel_loop3A_38, %parallel_loop3A_51 : i32
        %parallel_loop3A_53 = arith.index_cast %parallel_loop3A_52 : i32 to index
        %parallel_loop3A_54 = tpu.vector_load %arg5[%parallel_loop3A_53] {strides = array<i32>} : memref<2048xi32, #tpu.memory_space<vmem>>, vector<16xi32>,
        tpu.vector_store %arg5[%parallel_loop3A_53], %parallel_loop3A_50 {strides = array<i32>} : memref<2048xi32, #tpu.memory_space<vmem>>, vector<16xi32>,
      } {sc.loop_unroll_factor = 8 : i64, sc.parallel_access}
      %broadcast_in_dim3A = arith.constant 512 : i32
      %broadcast_in_dim3A_5 = vector.broadcast %broadcast_in_dim3A : i32 to vector<16xi32>
      %broadcast_in_dim3A_6 = arith.constant 0 : i32
      %broadcast_in_dim3A_7 = vector.broadcast %broadcast_in_dim3A_6 : i32 to vector<16xi32>
      %broadcast_in_dim3A_8 = arith.constant -2147483648 : i32
      %broadcast_in_dim3A_9 = vector.broadcast %broadcast_in_dim3A_8 : i32 to vector<16xi32>
      %broadcast_in_dim3A_10 = arith.constant 0 : i32
      %broadcast_in_dim3A_11 = vector.broadcast %broadcast_in_dim3A_10 : i32 to vector<16xi32>
      %parallel_loop3A_12 = arith.constant 0 : i32
      %parallel_loop3A_13 = arith.constant 128 : i32
      %parallel_loop3A_14 = arith.constant 1 : i32
      %parallel_loop3A_15 = scf.for %parallel_loop3A_38 = %parallel_loop3A_12 to %parallel_loop3A_13 step %parallel_loop3A_14 iter_args(%parallel_loop3A_39 = %broadcast_in_dim3A_11) -> (vector<16xi32>)  : i32 {
        %parallel_loop3A_40 = arith.constant 16 : i32
        %parallel_loop3A_41 = arith.muli %parallel_loop3A_38, %parallel_loop3A_40 : i32
        %parallel_loop3A_42 = arith.index_cast %parallel_loop3A_41 : i32 to index
        %parallel_loop3A_43 = tpu.vector_load %arg5[%parallel_loop3A_42] {strides = array<i32>} : memref<2048xi32, #tpu.memory_space<vmem>>, vector<16xi32>,
        %parallel_loop3A_44 = arith.cmpi sge, %parallel_loop3A_43, %broadcast_in_dim3A_7 : vector<16xi32>
        %parallel_loop3A_45 = tpu.all_reduce %parallel_loop3A_44 {dim = 0 : i64, kind = #tpu.reduction_kind<sum>} : vector<16xi1> -> vector<16xi32>
        %parallel_loop3A_46 = arith.addi %parallel_loop3A_39, %parallel_loop3A_45 : vector<16xi32>
        scf.yield %parallel_loop3A_46 : vector<16xi32>
      } {sc.loop_unroll_factor = 8 : i64, sc.parallel_access}
      %ge3A = arith.cmpi sge, %parallel_loop3A_15, %broadcast_in_dim3A_5 : vector<16xi32>
      %select_n3A = arith.select %ge3A, %broadcast_in_dim3A_7, %broadcast_in_dim3A_9 : vector<16xi1>, vector<16xi32>
      %scan3A = arith.constant 0 : i32
      %scan3A_16 = arith.constant 31 : i32
      %scan3A_17 = arith.addi %scan3A, %scan3A_16 : i32
      %scan3A_18 = arith.constant 1 : i32
      %scan3A_19 = scf.for %scan3A_38 = %scan3A to %scan3A_17 step %scan3A_18 iter_args(%scan3A_39 = %select_n3A) -> (vector<16xi32>)  : i32 {
        %sub3A_40 = arith.constant 30 : i32
        %sub3A_41 = arith.subi %sub3A_40, %scan3A_38 : i32
        %shift_left3A = arith.constant 1 : i32
        %shift_left3A_42 = arith.shli %shift_left3A, %sub3A_41 : i32
        %add3A_43 = vector.broadcast %shift_left3A_42 : i32 to vector<16xi32>
        %add3A_44 = arith.addi %broadcast_in_dim3A_7, %add3A_43 : vector<16xi32>
        %or3A = arith.ori %scan3A_39, %add3A_44 : vector<16xi32>
        %broadcast_in_dim3A_45 = arith.constant 0 : i32
        %broadcast_in_dim3A_46 = vector.broadcast %broadcast_in_dim3A_45 : i32 to vector<16xi32>
        %parallel_loop3A_47 = arith.constant 0 : i32
        %parallel_loop3A_48 = arith.constant 128 : i32
        %parallel_loop3A_49 = arith.constant 1 : i32
        %parallel_loop3A_50 = scf.for %parallel_loop3A_53 = %parallel_loop3A_47 to %parallel_loop3A_48 step %parallel_loop3A_49 iter_args(%parallel_loop3A_54 = %broadcast_in_dim3A_46) -> (vector<16xi32>)  : i32 {
          %parallel_loop3A_55 = arith.constant 16 : i32
          %parallel_loop3A_56 = arith.muli %parallel_loop3A_53, %parallel_loop3A_55 : i32
          %parallel_loop3A_57 = arith.index_cast %parallel_loop3A_56 : i32 to index
          %parallel_loop3A_58 = tpu.vector_load %arg5[%parallel_loop3A_57] {strides = array<i32>} : memref<2048xi32, #tpu.memory_space<vmem>>, vector<16xi32>,
          %parallel_loop3A_59 = arith.cmpi sge, %parallel_loop3A_58, %or3A : vector<16xi32>
          %parallel_loop3A_60 = tpu.all_reduce %parallel_loop3A_59 {dim = 0 : i64, kind = #tpu.reduction_kind<sum>} : vector<16xi1> -> vector<16xi32>
          %parallel_loop3A_61 = arith.addi %parallel_loop3A_54, %parallel_loop3A_60 : vector<16xi32>
          scf.yield %parallel_loop3A_61 : vector<16xi32>
        } {sc.loop_unroll_factor = 8 : i64, sc.parallel_access}
        %ge3A_51 = arith.cmpi sge, %parallel_loop3A_50, %broadcast_in_dim3A_5 : vector<16xi32>
        %select_n3A_52 = arith.select %ge3A_51, %or3A, %scan3A_39 : vector<16xi1>, vector<16xi32>
        scf.yield %select_n3A_52 : vector<16xi32>
      }
      %scan3A_20 = arith.constant 31 : i32
      %broadcast_in_dim3A_21 = arith.constant 0 : i32
      %broadcast_in_dim3A_22 = vector.broadcast %broadcast_in_dim3A_21 : i32 to vector<16xi32>
      %parallel_loop3A_23 = arith.constant 0 : i32
      %parallel_loop3A_24 = arith.constant 128 : i32
      %parallel_loop3A_25 = arith.constant 1 : i32
      %parallel_loop3A_26 = scf.for %parallel_loop3A_38 = %parallel_loop3A_23 to %parallel_loop3A_24 step %parallel_loop3A_25 iter_args(%parallel_loop3A_39 = %broadcast_in_dim3A_22) -> (vector<16xi32>)  : i32 {
        %parallel_loop3A_40 = arith.constant 16 : i32
        %parallel_loop3A_41 = arith.muli %parallel_loop3A_38, %parallel_loop3A_40 : i32
        %parallel_loop3A_42 = arith.index_cast %parallel_loop3A_41 : i32 to index
        %parallel_loop3A_43 = tpu.vector_load %arg5[%parallel_loop3A_42] {strides = array<i32>} : memref<2048xi32, #tpu.memory_space<vmem>>, vector<16xi32>,
        %parallel_loop3A_44 = arith.cmpi sgt, %parallel_loop3A_43, %scan3A_19 : vector<16xi32>
        %parallel_loop3A_45 = tpu.all_reduce %parallel_loop3A_44 {dim = 0 : i64, kind = #tpu.reduction_kind<sum>} : vector<16xi1> -> vector<16xi32>
        %parallel_loop3A_46 = arith.addi %parallel_loop3A_39, %parallel_loop3A_45 : vector<16xi32>
        scf.yield %parallel_loop3A_46 : vector<16xi32>
      } {sc.loop_unroll_factor = 8 : i64, sc.parallel_access}
      %sub3A = arith.subi %broadcast_in_dim3A_5, %parallel_loop3A_26 : vector<16xi32>
      %broadcast_in_dim3A_27 = arith.constant 2048 : i32
      %broadcast_in_dim3A_28 = vector.broadcast %broadcast_in_dim3A_27 : i32 to vector<16xi32>
      %scan3A_29 = arith.constant 0 : i32
      %scan3A_30 = arith.constant 12 : i32
      %scan3A_31 = arith.addi %scan3A_29, %scan3A_30 : i32
      %scan3A_32 = arith.constant 1 : i32
      %scan3A_33 = scf.for %scan3A_38 = %scan3A_29 to %scan3A_31 step %scan3A_32 iter_args(%scan3A_39 = %broadcast_in_dim3A_7) -> (vector<16xi32>)  : i32 {
        %sub3A_40 = arith.constant 11 : i32
        %sub3A_41 = arith.subi %sub3A_40, %scan3A_38 : i32
        %shift_left3A = arith.constant 1 : i32
        %shift_left3A_42 = arith.shli %shift_left3A, %sub3A_41 : i32
        %add3A_43 = vector.broadcast %shift_left3A_42 : i32 to vector<16xi32>
        %add3A_44 = arith.addi %broadcast_in_dim3A_7, %add3A_43 : vector<16xi32>
        %or3A = arith.ori %scan3A_39, %add3A_44 : vector<16xi32>
        %le3A = arith.cmpi sle, %or3A, %broadcast_in_dim3A_28 : vector<16xi32>
        %broadcast_in_dim3A_45 = arith.constant 0 : i32
        %broadcast_in_dim3A_46 = vector.broadcast %broadcast_in_dim3A_45 : i32 to vector<16xi32>
        %parallel_loop3A_47 = arith.constant 0 : i32
        %parallel_loop3A_48 = arith.constant 128 : i32
        %parallel_loop3A_49 = arith.constant 1 : i32
        %parallel_loop3A_50 = scf.for %parallel_loop3A_53 = %parallel_loop3A_47 to %parallel_loop3A_48 step %parallel_loop3A_49 iter_args(%parallel_loop3A_54 = %broadcast_in_dim3A_46) -> (vector<16xi32>)  : i32 {
          %parallel_loop3A_55 = arith.constant 16 : i32
          %parallel_loop3A_56 = arith.muli %parallel_loop3A_53, %parallel_loop3A_55 : i32
          %parallel_loop3A_57 = arith.index_cast %parallel_loop3A_56 : i32 to index
          %parallel_loop3A_58 = tpu.vector_load %arg5[%parallel_loop3A_57] {strides = array<i32>} : memref<2048xi32, #tpu.memory_space<vmem>>, vector<16xi32>,
          %parallel_loop3A_59 = tpu.iota {dimensions = array<i32: 0>} : vector<16xi32>
          %parallel_loop3A_60 = arith.constant 16 : i32
          %parallel_loop3A_61 = arith.muli %parallel_loop3A_53, %parallel_loop3A_60 : i32
          %parallel_loop3A_62 = vector.broadcast %parallel_loop3A_61 : i32 to vector<16xi32>
          %parallel_loop3A_63 = arith.addi %parallel_loop3A_59, %parallel_loop3A_62 : vector<16xi32>
          %parallel_loop3A_64 = arith.cmpi eq, %parallel_loop3A_58, %scan3A_19 : vector<16xi32>
          %parallel_loop3A_65 = arith.cmpi slt, %parallel_loop3A_63, %or3A : vector<16xi32>
          %parallel_loop3A_66 = arith.andi %parallel_loop3A_64, %parallel_loop3A_65 : vector<16xi1>
          %parallel_loop3A_67 = tpu.all_reduce %parallel_loop3A_66 {dim = 0 : i64, kind = #tpu.reduction_kind<sum>} : vector<16xi1> -> vector<16xi32>
          %parallel_loop3A_68 = arith.addi %parallel_loop3A_54, %parallel_loop3A_67 : vector<16xi32>
          scf.yield %parallel_loop3A_68 : vector<16xi32>
        } {sc.loop_unroll_factor = 8 : i64, sc.parallel_access}
        %lt3A_51 = arith.cmpi slt, %parallel_loop3A_50, %sub3A : vector<16xi32>
        %and3A = arith.andi %le3A, %lt3A_51 : vector<16xi1>
        %select_n3A_52 = arith.select %and3A, %or3A, %scan3A_39 : vector<16xi1>, vector<16xi32>
        scf.yield %select_n3A_52 : vector<16xi32>
      }
      %scan3A_34 = arith.constant 12 : i32
      %parallel_loop3A_35 = arith.constant 0 : i32
      %parallel_loop3A_36 = arith.constant 128 : i32
      %parallel_loop3A_37 = arith.constant 1 : i32
      scf.for %parallel_loop3A_38 = %parallel_loop3A_35 to %parallel_loop3A_36 step %parallel_loop3A_37  : i32 {
        %parallel_loop3A_39 = arith.constant 16 : i32
        %parallel_loop3A_40 = arith.muli %parallel_loop3A_38, %parallel_loop3A_39 : i32
        %parallel_loop3A_41 = arith.index_cast %parallel_loop3A_40 : i32 to index
        %parallel_loop3A_42 = tpu.vector_load %arg4[%parallel_loop3A_41] {strides = array<i32>} : memref<2048xf32, #tpu.memory_space<vmem>>, vector<16xf32>,
        %parallel_loop3A_43 = arith.constant 16 : i32
        %parallel_loop3A_44 = arith.muli %parallel_loop3A_38, %parallel_loop3A_43 : i32
        %parallel_loop3A_45 = arith.index_cast %parallel_loop3A_44 : i32 to index
        %parallel_loop3A_46 = tpu.vector_load %arg5[%parallel_loop3A_45] {strides = array<i32>} : memref<2048xi32, #tpu.memory_space<vmem>>, vector<16xi32>,
        %parallel_loop3A_47 = tpu.iota {dimensions = array<i32: 0>} : vector<16xi32>
        %parallel_loop3A_48 = arith.constant 16 : i32
        %parallel_loop3A_49 = arith.muli %parallel_loop3A_38, %parallel_loop3A_48 : i32
        %parallel_loop3A_50 = vector.broadcast %parallel_loop3A_49 : i32 to vector<16xi32>
        %parallel_loop3A_51 = arith.addi %parallel_loop3A_47, %parallel_loop3A_50 : vector<16xi32>
        %parallel_loop3A_52 = arith.cmpi sgt, %parallel_loop3A_46, %scan3A_19 : vector<16xi32>
        %parallel_loop3A_53 = arith.cmpi eq, %parallel_loop3A_46, %scan3A_19 : vector<16xi32>
        %parallel_loop3A_54 = arith.cmpi sle, %parallel_loop3A_51, %scan3A_33 : vector<16xi32>
        %parallel_loop3A_55 = arith.andi %parallel_loop3A_53, %parallel_loop3A_54 : vector<16xi1>
        %parallel_loop3A_56 = arith.ori %parallel_loop3A_52, %parallel_loop3A_55 : vector<16xi1>
        %parallel_loop3A_57 = arith.constant 0.000000e+00 : f32
        %parallel_loop3A_58 = vector.broadcast %parallel_loop3A_57 : f32 to vector<16xf32>
        %parallel_loop3A_59 = arith.subf %parallel_loop3A_58, %parallel_loop3A_42 : vector<16xf32>
        %parallel_loop3A_60 = math.exp %parallel_loop3A_59 : vector<16xf32>
        %parallel_loop3A_61 = arith.constant 1.000000e+00 : f32
        %parallel_loop3A_62 = vector.broadcast %parallel_loop3A_61 : f32 to vector<16xf32>
        %parallel_loop3A_63 = arith.addf %parallel_loop3A_62, %parallel_loop3A_60 : vector<16xf32>
        %parallel_loop3A_64 = arith.constant 1.000000e+00 : f32
        %parallel_loop3A_65 = vector.broadcast %parallel_loop3A_64 : f32 to vector<16xf32>
        %parallel_loop3A_66 = arith.divf %parallel_loop3A_65, %parallel_loop3A_63 : vector<16xf32>
        %parallel_loop3A_67 = arith.constant 0.000000e+00 : f32
        %parallel_loop3A_68 = vector.broadcast %parallel_loop3A_67 : f32 to vector<16xf32>
        %parallel_loop3A_69 = arith.select %parallel_loop3A_56, %parallel_loop3A_66, %parallel_loop3A_68 : vector<16xi1>, vector<16xf32>
        %parallel_loop3A_70 = arith.constant 16 : i32
        %parallel_loop3A_71 = arith.muli %parallel_loop3A_38, %parallel_loop3A_70 : i32
        %parallel_loop3A_72 = arith.index_cast %parallel_loop3A_71 : i32 to index
        %parallel_loop3A_73 = tpu.vector_load %arg6[%parallel_loop3A_72] {strides = array<i32>} : memref<2048xf32, #tpu.memory_space<vmem>>, vector<16xf32>,
        tpu.vector_store %arg6[%parallel_loop3A_72], %parallel_loop3A_69 {strides = array<i32>} : memref<2048xf32, #tpu.memory_space<vmem>>, vector<16xf32>,
      } {sc.loop_unroll_factor = 8 : i64, sc.parallel_access}
      "tpu.region"() ({
        %run_scoped3A = tpu.sem_alloc : memref<!tpu.dma_semaphore, #tpu.memory_space<semaphore_mem>>
        %dma_start3A = arith.constant 0 : i32
        %dma_start3A_38 = tpu.memref_slice %arg3[%add3A, %dma_start3A] : memref<16x2048xf32, #tpu.memory_space<hbm>> -> memref<1x2048xf32, #tpu.memory_space<hbm>>
        %dma_start3A_39 = tpu.memref_squeeze %dma_start3A_38 : memref<1x2048xf32, #tpu.memory_space<hbm>> -> memref<2048xf32, #tpu.memory_space<hbm>>
        %dma_start3A_40 = arith.constant 0 : i32
        %dma_start3A_41 = tpu.memref_slice %arg3[%add3A, %dma_start3A_40] : memref<16x2048xf32, #tpu.memory_space<hbm>> -> memref<1x2048xf32, #tpu.memory_space<hbm>>
        %dma_start3A_42 = tpu.memref_squeeze %dma_start3A_41 : memref<1x2048xf32, #tpu.memory_space<hbm>> -> memref<2048xf32, #tpu.memory_space<hbm>>
        tpu.enqueue_dma source(%arg6 : memref<2048xf32, #tpu.memory_space<vmem>>) target(%dma_start3A_42 : memref<2048xf32, #tpu.memory_space<hbm>>) target_semaphore(%run_scoped3A : memref<!tpu.dma_semaphore, #tpu.memory_space<semaphore_mem>>)
        %dma_wait3A = arith.constant 0 : i32
        %dma_wait3A_43 = tpu.memref_slice %arg3[%add3A, %dma_wait3A] : memref<16x2048xf32, #tpu.memory_space<hbm>> -> memref<1x2048xf32, #tpu.memory_space<hbm>>
        %dma_wait3A_44 = tpu.memref_squeeze %dma_wait3A_43 : memref<1x2048xf32, #tpu.memory_space<hbm>> -> memref<2048xf32, #tpu.memory_space<hbm>>
        %dma_wait3A_45 = arith.constant 0 : i32
        %dma_wait3A_46 = tpu.memref_slice %arg3[%add3A, %dma_wait3A_45] : memref<16x2048xf32, #tpu.memory_space<hbm>> -> memref<1x2048xf32, #tpu.memory_space<hbm>>
        %dma_wait3A_47 = tpu.memref_squeeze %dma_wait3A_46 : memref<1x2048xf32, #tpu.memory_space<hbm>> -> memref<2048xf32, #tpu.memory_space<hbm>>
        tpu.wait_dma2 semaphore(%run_scoped3A : memref<!tpu.dma_semaphore, #tpu.memory_space<semaphore_mem>>) src(%arg6 : memref<2048xf32, #tpu.memory_space<vmem>>) dst(%dma_wait3A_47 : memref<2048xf32, #tpu.memory_space<hbm>>)
        tpu.yield
      }) : () -> ()
    } else {
    }
    return
  }
}

module attributes {stable_mosaic.version = 14 : i64} {
  func.func @_finish_body(%arg0: i32, %arg1: memref<16x2048xf32, #tpu.memory_space<vmem>>, %arg2: memref<2xi32, #tpu.memory_space<smem>>, %arg3: memref<16x2048xf32, #tpu.memory_space<vmem>>, %arg4: memref<16x2048xf32, #tpu.memory_space<vmem>>) attributes {dimension_semantics = [#tpu.dimension_semantics<arbitrary>], iteration_bounds = array<i64: 1>, scalar_prefetch = 0 : i64, scratch_operands = 0 : i64, tpu.core_type = #tpu.core_type<tc>, window_params = [{pipeline_mode = #tpu.pipeline_mode<synchronous>, transform_indices = @transform_0, window_bounds = array<i64: 16, 2048>}, {transform_indices = @transform_1, window_bounds = array<i64: 2>}, {pipeline_mode = #tpu.pipeline_mode<synchronous>, transform_indices = @transform_2, window_bounds = array<i64: 16, 2048>}, {pipeline_mode = #tpu.pipeline_mode<synchronous>, transform_indices = @transform_3, window_bounds = array<i64: 16, 2048>}]} {
    %get3A = arith.constant 0 : index
    %get3A_0 = arith.constant 0 : index
    %get3A_1 = vector.load %arg1[%get3A, %get3A_0] : memref<16x2048xf32, #tpu.memory_space<vmem>>, vector<16x2048xf32>
    %mul3A = arith.constant 0.699999988 : f32
    %mul3A_2 = vector.broadcast %mul3A : f32 to vector<16x2048xf32>
    %mul3A_3 = arith.mulf %mul3A_2, %get3A_1 : vector<16x2048xf32>
    %add3A = arith.constant 3.750000e-02 : f32
    %add3A_4 = vector.broadcast %add3A : f32 to vector<16x2048xf32>
    %add3A_5 = arith.addf %mul3A_3, %add3A_4 : vector<16x2048xf32>
    %get3A_6 = arith.constant 0 : index
    %get3A_7 = memref.load %arg2[%get3A_6] : memref<2xi32, #tpu.memory_space<smem>>
    %convert_element_type3A = arith.sitofp %get3A_7 : i32 to f32
    %get3A_8 = arith.constant 1 : index
    %get3A_9 = memref.load %arg2[%get3A_8] : memref<2xi32, #tpu.memory_space<smem>>
    %convert_element_type3A_10 = arith.sitofp %get3A_9 : i32 to f32
    %div3A = arith.constant 1.000000e+03 : f32
    %div3A_11 = arith.divf %convert_element_type3A, %div3A : f32
    %mul3A_12 = arith.constant 1.100000e+00 : f32
    %mul3A_13 = arith.mulf %mul3A_12, %div3A_11 : f32
    %add3A_14 = arith.constant 5.000000e-01 : f32
    %add3A_15 = arith.addf %add3A_14, %mul3A_13 : f32
    %div3A_16 = arith.constant 1.000000e+03 : f32
    %div3A_17 = arith.divf %convert_element_type3A_10, %div3A_16 : f32
    %mul3A_18 = arith.constant 1.100000e+00 : f32
    %mul3A_19 = arith.mulf %mul3A_18, %div3A_17 : f32
    %add3A_20 = arith.constant 5.000000e-01 : f32
    %add3A_21 = arith.addf %add3A_20, %mul3A_19 : f32
    %iota3A = tpu.iota {dimensions = array<i32: 0>} : vector<16x1xi32>
    %lt3A = arith.constant 8 : i32
    %lt3A_22 = vector.broadcast %lt3A : i32 to vector<16x1xi32>
    %lt3A_23 = arith.cmpi slt, %iota3A, %lt3A_22 : vector<16x1xi32>
    %broadcast_in_dim3A = vector.broadcast %add3A_15 : f32 to vector<16x1xf32>
    %broadcast_in_dim3A_24 = vector.broadcast %add3A_21 : f32 to vector<16x1xf32>
    %select_n3A = arith.select %lt3A_23, %broadcast_in_dim3A, %broadcast_in_dim3A_24 : vector<16x1xi1>, vector<16x1xf32>
    %sub3A = vector.broadcast %select_n3A : vector<16x1xf32> to vector<16x2048xf32>
    %sub3A_25 = arith.subf %add3A_5, %sub3A : vector<16x2048xf32>
    %max3A = arith.constant 0.000000e+00 : f32
    %max3A_26 = vector.broadcast %max3A : f32 to vector<16x2048xf32>
    %max3A_27 = arith.maximumf %sub3A_25, %max3A_26 : vector<16x2048xf32>
    %sub3A_28 = arith.subf %add3A_5, %max3A_27 : vector<16x2048xf32>
    %sub3A_29 = vector.broadcast %select_n3A : vector<16x1xf32> to vector<16x2048xf32>
    %sub3A_30 = arith.subf %sub3A_29, %sub3A_28 : vector<16x2048xf32>
    %max3A_31 = arith.constant 0.000000e+00 : f32
    %max3A_32 = vector.broadcast %max3A_31 : f32 to vector<16x2048xf32>
    %max3A_33 = arith.maximumf %sub3A_30, %max3A_32 : vector<16x2048xf32>
    %slice3A = vector.extract_strided_slice %max3A_33 {offsets = [0, 0], sizes = [8, 2048], strides = [1, 1]} : vector<16x2048xf32> to vector<8x2048xf32>
    %reduce_sum3A = arith.constant dense<0.000000e+00> : vector<2048xf32>
    %reduce_sum3A_34 = vector.multi_reduction <add>, %slice3A, %reduce_sum3A [0] : vector<8x2048xf32> to vector<2048xf32>
    %broadcast_in_dim3A_35 = vector.shape_cast %reduce_sum3A_34 : vector<2048xf32> to vector<1x2048xf32>
    %slice3A_36 = vector.extract_strided_slice %max3A_33 {offsets = [8, 0], sizes = [8, 2048], strides = [1, 1]} : vector<16x2048xf32> to vector<8x2048xf32>
    %reduce_sum3A_37 = arith.constant dense<0.000000e+00> : vector<2048xf32>
    %reduce_sum3A_38 = vector.multi_reduction <add>, %slice3A_36, %reduce_sum3A_37 [0] : vector<8x2048xf32> to vector<2048xf32>
    %broadcast_in_dim3A_39 = vector.shape_cast %reduce_sum3A_38 : vector<2048xf32> to vector<1x2048xf32>
    %broadcast_in_dim3A_40 = vector.shape_cast %broadcast_in_dim3A_35 : vector<1x2048xf32> to vector<1x2048xf32>
    %broadcast_in_dim3A_41 = vector.broadcast %broadcast_in_dim3A_40 : vector<1x2048xf32> to vector<8x2048xf32>
    %broadcast_in_dim3A_42 = vector.shape_cast %broadcast_in_dim3A_39 : vector<1x2048xf32> to vector<1x2048xf32>
    %broadcast_in_dim3A_43 = vector.broadcast %broadcast_in_dim3A_42 : vector<1x2048xf32> to vector<8x2048xf32>
    %concatenate3A = tpu.concatenate %broadcast_in_dim3A_41, %broadcast_in_dim3A_43 in 0 : vector<8x2048xf32>, vector<8x2048xf32> -> vector<16x2048xf32>
    %max3A_44 = arith.constant 9.99999993E-9 : f32
    %max3A_45 = vector.broadcast %max3A_44 : f32 to vector<16x2048xf32>
    %max3A_46 = arith.maximumf %concatenate3A, %max3A_45 : vector<16x2048xf32>
    %slice3A_47 = vector.extract_strided_slice %max3A_27 {offsets = [0, 0], sizes = [8, 2048], strides = [1, 1]} : vector<16x2048xf32> to vector<8x2048xf32>
    %reduce_sum3A_48 = arith.constant dense<0.000000e+00> : vector<2048xf32>
    %reduce_sum3A_49 = vector.multi_reduction <add>, %slice3A_47, %reduce_sum3A_48 [0] : vector<8x2048xf32> to vector<2048xf32>
    %broadcast_in_dim3A_50 = vector.shape_cast %reduce_sum3A_49 : vector<2048xf32> to vector<1x2048xf32>
    %slice3A_51 = vector.extract_strided_slice %max3A_27 {offsets = [8, 0], sizes = [8, 2048], strides = [1, 1]} : vector<16x2048xf32> to vector<8x2048xf32>
    %reduce_sum3A_52 = arith.constant dense<0.000000e+00> : vector<2048xf32>
    %reduce_sum3A_53 = vector.multi_reduction <add>, %slice3A_51, %reduce_sum3A_52 [0] : vector<8x2048xf32> to vector<2048xf32>
    %broadcast_in_dim3A_54 = vector.shape_cast %reduce_sum3A_53 : vector<2048xf32> to vector<1x2048xf32>
    %broadcast_in_dim3A_55 = vector.shape_cast %broadcast_in_dim3A_50 : vector<1x2048xf32> to vector<1x2048xf32>
    %broadcast_in_dim3A_56 = vector.broadcast %broadcast_in_dim3A_55 : vector<1x2048xf32> to vector<8x2048xf32>
    %broadcast_in_dim3A_57 = vector.shape_cast %broadcast_in_dim3A_54 : vector<1x2048xf32> to vector<1x2048xf32>
    %broadcast_in_dim3A_58 = vector.broadcast %broadcast_in_dim3A_57 : vector<1x2048xf32> to vector<8x2048xf32>
    %concatenate3A_59 = tpu.concatenate %broadcast_in_dim3A_56, %broadcast_in_dim3A_58 in 0 : vector<8x2048xf32>, vector<8x2048xf32> -> vector<16x2048xf32>
    %div3A_60 = arith.divf %max3A_33, %max3A_46 : vector<16x2048xf32>
    %mul3A_61 = arith.mulf %concatenate3A_59, %div3A_60 : vector<16x2048xf32>
    %add3A_62 = arith.addf %sub3A_28, %mul3A_61 : vector<16x2048xf32>
    %swap3A = arith.constant 0 : index
    %swap3A_63 = arith.constant 0 : index
    %swap3A_64 = vector.load %arg3[%swap3A, %swap3A_63] : memref<16x2048xf32, #tpu.memory_space<vmem>>, vector<16x2048xf32>
    tpu.vector_store %arg3[%swap3A, %swap3A_63], %add3A_62 {strides = array<i32>} : memref<16x2048xf32, #tpu.memory_space<vmem>>, vector<16x2048xf32>,
    %slice3A_65 = vector.extract_strided_slice %add3A_62 {offsets = [0, 0], sizes = [8, 2048], strides = [1, 1]} : vector<16x2048xf32> to vector<8x2048xf32>
    %reduce_sum3A_66 = arith.constant dense<0.000000e+00> : vector<2048xf32>
    %reduce_sum3A_67 = vector.multi_reduction <add>, %slice3A_65, %reduce_sum3A_66 [0] : vector<8x2048xf32> to vector<2048xf32>
    %broadcast_in_dim3A_68 = vector.shape_cast %reduce_sum3A_67 : vector<2048xf32> to vector<1x2048xf32>
    %slice3A_69 = vector.extract_strided_slice %add3A_62 {offsets = [8, 0], sizes = [8, 2048], strides = [1, 1]} : vector<16x2048xf32> to vector<8x2048xf32>
    %reduce_sum3A_70 = arith.constant dense<0.000000e+00> : vector<2048xf32>
    %reduce_sum3A_71 = vector.multi_reduction <add>, %slice3A_69, %reduce_sum3A_70 [0] : vector<8x2048xf32> to vector<2048xf32>
    %broadcast_in_dim3A_72 = vector.shape_cast %reduce_sum3A_71 : vector<2048xf32> to vector<1x2048xf32>
    %broadcast_in_dim3A_73 = vector.shape_cast %broadcast_in_dim3A_68 : vector<1x2048xf32> to vector<1x2048xf32>
    %broadcast_in_dim3A_74 = vector.broadcast %broadcast_in_dim3A_73 : vector<1x2048xf32> to vector<8x2048xf32>
    %broadcast_in_dim3A_75 = vector.shape_cast %broadcast_in_dim3A_72 : vector<1x2048xf32> to vector<1x2048xf32>
    %broadcast_in_dim3A_76 = vector.broadcast %broadcast_in_dim3A_75 : vector<1x2048xf32> to vector<8x2048xf32>
    %concatenate3A_77 = tpu.concatenate %broadcast_in_dim3A_74, %broadcast_in_dim3A_76 in 0 : vector<8x2048xf32>, vector<8x2048xf32> -> vector<16x2048xf32>
    %add3A_78 = arith.constant 9.99999993E-9 : f32
    %add3A_79 = vector.broadcast %add3A_78 : f32 to vector<16x2048xf32>
    %add3A_80 = arith.addf %concatenate3A_77, %add3A_79 : vector<16x2048xf32>
    %div3A_81 = arith.divf %add3A_62, %add3A_80 : vector<16x2048xf32>
    %swap3A_82 = arith.constant 0 : index
    %swap3A_83 = arith.constant 0 : index
    %swap3A_84 = vector.load %arg4[%swap3A_82, %swap3A_83] : memref<16x2048xf32, #tpu.memory_space<vmem>>, vector<16x2048xf32>
    tpu.vector_store %arg4[%swap3A_82, %swap3A_83], %div3A_81 {strides = array<i32>} : memref<16x2048xf32, #tpu.memory_space<vmem>>, vector<16x2048xf32>,
    return
  }
  func.func @transform_0(%arg0: i32) -> (i32, i32) {
    %c0_i32 = arith.constant 0 : i32
    %c0_i32_0 = arith.constant 0 : i32
    %c0_i32_1 = arith.constant 0 : i32
    return %c0_i32, %c0_i32_0 : i32, i32
  }
  func.func @transform_1(%arg0: i32) -> i32 {
    %c0_i32 = arith.constant 0 : i32
    %c0_i32_0 = arith.constant 0 : i32
    return %c0_i32 : i32
  }
  func.func @transform_2(%arg0: i32) -> (i32, i32) {
    %c0_i32 = arith.constant 0 : i32
    %c0_i32_0 = arith.constant 0 : i32
    %c0_i32_1 = arith.constant 0 : i32
    return %c0_i32, %c0_i32_0 : i32, i32
  }
  func.func @transform_3(%arg0: i32) -> (i32, i32) {
    %c0_i32 = arith.constant 0 : i32
    %c0_i32_0 = arith.constant 0 : i32
    %c0_i32_1 = arith.constant 0 : i32
    return %c0_i32, %c0_i32_0 : i32, i32
  }
}

module attributes {stable_mosaic.version = 14 : i64} {
  func.func @_logits_body(%arg0: i32, %arg1: memref<512x1024xf32, #tpu.memory_space<vmem>>, %arg2: memref<3x4096xf32, #tpu.memory_space<vmem>>, %arg3: memref<3x4096xbf16, #tpu.memory_space<vmem>>, %arg4: memref<512x1027xf32, #tpu.memory_space<vmem>>, %arg5: memref<1x512xf32, #tpu.memory_space<vmem>>, %arg6: memref<8x512xf32, #tpu.memory_space<vmem>>, %arg7: memref<8x1xf32, #tpu.memory_space<vmem>>, %arg8: memref<8x3xf32, #tpu.memory_space<vmem>>, %arg9: memref<16x2048xf32, #tpu.memory_space<vmem>>, %arg10: memref<8x4096xf32, #tpu.memory_space<vmem>>, %arg11: memref<512x1027xbf16, #tpu.memory_space<vmem>>, %arg12: memref<1x1xf32, #tpu.memory_space<smem>>) attributes {dimension_semantics = [#tpu.dimension_semantics<arbitrary>], iteration_bounds = array<i64: 8>, scalar_prefetch = 0 : i64, scratch_operands = 3 : i64, tpu.core_type = #tpu.core_type<tc>, window_params = [{transform_indices = @transform_0, window_bounds = array<i64: 512, 1024>}, {pipeline_mode = #tpu.pipeline_mode<synchronous>, transform_indices = @transform_1, window_bounds = array<i64: 3, 4096>}, {pipeline_mode = #tpu.pipeline_mode<synchronous>, transform_indices = @transform_2, window_bounds = array<i64: 3, 4096>}, {pipeline_mode = #tpu.pipeline_mode<synchronous>, transform_indices = @transform_3, window_bounds = array<i64: 512, 1027>}, {pipeline_mode = #tpu.pipeline_mode<synchronous>, transform_indices = @transform_4, window_bounds = array<i64: 1, 512>}, {pipeline_mode = #tpu.pipeline_mode<synchronous>, transform_indices = @transform_5, window_bounds = array<i64: 8, 512>}, {pipeline_mode = #tpu.pipeline_mode<synchronous>, transform_indices = @transform_6, window_bounds = array<i64: 8, 1>}, {pipeline_mode = #tpu.pipeline_mode<synchronous>, transform_indices = @transform_7, window_bounds = array<i64: 8, 3>}, {pipeline_mode = #tpu.pipeline_mode<synchronous>, transform_indices = @transform_8, window_bounds = array<i64: 16, 2048>}]} {
    %eq3A = arith.constant 0 : i32
    %eq3A_0 = arith.cmpi eq, %arg0, %eq3A : i32
    %convert_element_type3A = arith.extui %eq3A_0 : i1 to i32
    %cond3A = arith.constant 0 : i32
    %cond3A_1 = arith.cmpi ne, %convert_element_type3A, %cond3A : i32
    scf.if %cond3A_1 {
      %get3A_94 = arith.constant 0 : index
      %get3A_95 = arith.constant 0 : index
      %get3A_96 = vector.load %arg4[%get3A_94, %get3A_95] : memref<512x1027xf32, #tpu.memory_space<vmem>>, vector<512x1027xf32>
      %convert_element_type3A_97 = arith.truncf %get3A_96 : vector<512x1027xf32> to vector<512x1027xbf16>
      %swap3A_98 = arith.constant 0 : index
      %swap3A_99 = arith.constant 0 : index
      %swap3A_100 = vector.load %arg11[%swap3A_98, %swap3A_99] : memref<512x1027xbf16, #tpu.memory_space<vmem>>, vector<512x1027xbf16>
      tpu.vector_store %arg11[%swap3A_98, %swap3A_99], %convert_element_type3A_97 {strides = array<i32>} : memref<512x1027xbf16, #tpu.memory_space<vmem>>, vector<512x1027xbf16>,
      %broadcast_in_dim3A = arith.constant 0.000000e+00 : f32
      %broadcast_in_dim3A_101 = vector.broadcast %broadcast_in_dim3A : f32 to vector<8x4096xf32>
      %get3A_102 = arith.constant 0 : index
      %get3A_103 = arith.constant 0 : index
      %get3A_104 = vector.load %arg2[%get3A_102, %get3A_103] : memref<3x4096xf32, #tpu.memory_space<vmem>>, vector<1x4096xf32>
      %get3A_105 = arith.constant 0 : index
      %get3A_106 = arith.constant 0 : index
      %get3A_107 = vector.load %arg8[%get3A_105, %get3A_106] : memref<8x3xf32, #tpu.memory_space<vmem>>, vector<8x1xf32>
      %sub3A_108 = vector.broadcast %get3A_107 : vector<8x1xf32> to vector<8x4096xf32>
      %sub3A_109 = vector.broadcast %get3A_104 : vector<1x4096xf32> to vector<8x4096xf32>
      %sub3A_110 = arith.subf %sub3A_108, %sub3A_109 : vector<8x4096xf32>
      %mul3A_111 = arith.mulf %sub3A_110, %sub3A_110 : vector<8x4096xf32>
      %add3A_112 = arith.addf %broadcast_in_dim3A_101, %mul3A_111 : vector<8x4096xf32>
      %get3A_113 = arith.constant 1 : index
      %get3A_114 = arith.constant 0 : index
      %get3A_115 = vector.load %arg2[%get3A_113, %get3A_114] : memref<3x4096xf32, #tpu.memory_space<vmem>>, vector<1x4096xf32>
      %get3A_116 = arith.constant 0 : index
      %get3A_117 = arith.constant 1 : index
      %get3A_118 = vector.load %arg8[%get3A_116, %get3A_117] : memref<8x3xf32, #tpu.memory_space<vmem>>, vector<8x1xf32>
      %sub3A_119 = vector.broadcast %get3A_118 : vector<8x1xf32> to vector<8x4096xf32>
      %sub3A_120 = vector.broadcast %get3A_115 : vector<1x4096xf32> to vector<8x4096xf32>
      %sub3A_121 = arith.subf %sub3A_119, %sub3A_120 : vector<8x4096xf32>
      %mul3A_122 = arith.mulf %sub3A_121, %sub3A_121 : vector<8x4096xf32>
      %add3A_123 = arith.addf %add3A_112, %mul3A_122 : vector<8x4096xf32>
      %get3A_124 = arith.constant 2 : index
      %get3A_125 = arith.constant 0 : index
      %get3A_126 = vector.load %arg2[%get3A_124, %get3A_125] : memref<3x4096xf32, #tpu.memory_space<vmem>>, vector<1x4096xf32>
      %get3A_127 = arith.constant 0 : index
      %get3A_128 = arith.constant 2 : index
      %get3A_129 = vector.load %arg8[%get3A_127, %get3A_128] : memref<8x3xf32, #tpu.memory_space<vmem>>, vector<8x1xf32>
      %sub3A_130 = vector.broadcast %get3A_129 : vector<8x1xf32> to vector<8x4096xf32>
      %sub3A_131 = vector.broadcast %get3A_126 : vector<1x4096xf32> to vector<8x4096xf32>
      %sub3A_132 = arith.subf %sub3A_130, %sub3A_131 : vector<8x4096xf32>
      %mul3A_133 = arith.mulf %sub3A_132, %sub3A_132 : vector<8x4096xf32>
      %add3A_134 = arith.addf %add3A_123, %mul3A_133 : vector<8x4096xf32>
      %sqrt3A = math.sqrt %add3A_134 : vector<8x4096xf32>
      %swap3A_135 = arith.constant 0 : index
      %swap3A_136 = arith.constant 0 : index
      %swap3A_137 = vector.load %arg10[%swap3A_135, %swap3A_136] : memref<8x4096xf32, #tpu.memory_space<vmem>>, vector<8x4096xf32>
      tpu.vector_store %arg10[%swap3A_135, %swap3A_136], %sqrt3A {strides = array<i32>} : memref<8x4096xf32, #tpu.memory_space<vmem>>, vector<8x4096xf32>,
      %reduce_sum3A = vector.shape_cast %sqrt3A : vector<8x4096xf32> to vector<1x8x4096xf32>
      %reduce_sum3A_138 = arith.constant dense<0.000000e+00> : vector<1xf32>
      %reduce_sum3A_139 = vector.multi_reduction <add>, %reduce_sum3A, %reduce_sum3A_138 [1, 2] : vector<1x8x4096xf32> to vector<1xf32>
      %reduce_sum3A_140 = vector.shape_cast %reduce_sum3A_139 : vector<1xf32> to vector<1x1x1xf32>
      %reduce_sum3A_141 = vector.extract %reduce_sum3A_140[0, 0, 0] : f32 from vector<1x1x1xf32>
      %div3A_142 = arith.constant 3.276800e+04 : f32
      %div3A_143 = arith.divf %reduce_sum3A_141, %div3A_142 : f32
      %add3A_144 = arith.constant 9.99999997E-7 : f32
      %add3A_145 = arith.addf %div3A_143, %add3A_144 : f32
      %div3A_146 = arith.constant 1.000000e+00 : f32
      %div3A_147 = arith.divf %div3A_146, %add3A_145 : f32
      %swap3A_148 = arith.constant 0 : index
      %swap3A_149 = arith.constant 0 : index
      %swap3A_150 = memref.load %arg12[%swap3A_148, %swap3A_149] : memref<1x1xf32, #tpu.memory_space<smem>>
      memref.store %div3A_147, %arg12[%swap3A_148, %swap3A_149] : memref<1x1xf32, #tpu.memory_space<smem>>
    } else {
    }
    %get3A = arith.constant 0 : index
    %get3A_2 = arith.constant 0 : index
    %get3A_3 = memref.load %arg12[%get3A, %get3A_2] : memref<1x1xf32, #tpu.memory_space<smem>>
    %mul3A = arith.constant 512 : i32
    %mul3A_4 = arith.muli %arg0, %mul3A : i32
    %get3A_5 = arith.constant 0 : index
    %get3A_6 = arith.index_cast %mul3A_4 : i32 to index
    %get3A_7 = vector.load %arg3[%get3A_5, %get3A_6] : memref<3x4096xbf16, #tpu.memory_space<vmem>>, vector<3x512xbf16>
    %get3A_8 = arith.constant 0 : index
    %get3A_9 = arith.constant 0 : index
    %get3A_10 = vector.load %arg1[%get3A_8, %get3A_9] : memref<512x1024xf32, #tpu.memory_space<vmem>>, vector<512x1024xf32>
    %convert_element_type3A_11 = arith.truncf %get3A_10 : vector<512x1024xf32> to vector<512x1024xbf16>
    %get3A_12 = arith.constant 0 : index
    %get3A_13 = arith.constant 0 : index
    %get3A_14 = vector.load %arg11[%get3A_12, %get3A_13] : memref<512x1027xbf16, #tpu.memory_space<vmem>>, vector<512x1024xbf16>
    %dot_general3A = arith.constant dense<0.000000e+00> : vector<512x512xf32>
    %dot_general3A_15 = tpu.matmul %convert_element_type3A_11, %get3A_14, %dot_general3A {dimension_numbers = #tpu.dot_dimension_numbers<[1], [1], [0], [0], [0, 0, 1, 0], [], []>, transpose_lhs_hint = false} : vector<512x1024xbf16>, vector<512x1024xbf16>, vector<512x512xf32> -> vector<512x512xf32>
    %get3A_16 = arith.constant 0 : index
    %get3A_17 = arith.constant 1024 : index
    %get3A_18 = vector.load %arg11[%get3A_16, %get3A_17] : memref<512x1027xbf16, #tpu.memory_space<vmem>>, vector<512x3xbf16>
    %dot_general3A_19 = arith.constant dense<0.000000e+00> : vector<512x512xf32>
    %dot_general3A_20 = tpu.matmul %get3A_7, %get3A_18, %dot_general3A_19 {dimension_numbers = #tpu.dot_dimension_numbers<[0], [1], [1], [0], [0, 1, 1, 0], [], []>, transpose_lhs_hint = false} : vector<3x512xbf16>, vector<512x3xbf16>, vector<512x512xf32> -> vector<512x512xf32>
    %add3A = arith.addf %dot_general3A_15, %dot_general3A_20 : vector<512x512xf32>
    %get3A_21 = arith.constant 0 : index
    %get3A_22 = arith.constant 0 : index
    %get3A_23 = vector.load %arg5[%get3A_21, %get3A_22] : memref<1x512xf32, #tpu.memory_space<vmem>>, vector<1x512xf32>
    %add3A_24 = vector.broadcast %get3A_23 : vector<1x512xf32> to vector<512x512xf32>
    %add3A_25 = arith.addf %add3A, %add3A_24 : vector<512x512xf32>
    %mul3A_26 = arith.constant 5.000000e-01 : f32
    %mul3A_27 = vector.broadcast %mul3A_26 : f32 to vector<512x512xf32>
    %mul3A_28 = arith.mulf %mul3A_27, %add3A_25 : vector<512x512xf32>
    %mul3A_29 = arith.constant 0.707106769 : f32
    %mul3A_30 = vector.broadcast %mul3A_29 : f32 to vector<512x512xf32>
    %mul3A_31 = arith.mulf %add3A_25, %mul3A_30 : vector<512x512xf32>
    %erf3A = math.erf %mul3A_31 : vector<512x512xf32>
    %add3A_32 = arith.constant 1.000000e+00 : f32
    %add3A_33 = vector.broadcast %add3A_32 : f32 to vector<512x512xf32>
    %add3A_34 = arith.addf %add3A_33, %erf3A : vector<512x512xf32>
    %mul3A_35 = arith.mulf %mul3A_28, %add3A_34 : vector<512x512xf32>
    %get3A_36 = arith.constant 0 : index
    %get3A_37 = arith.constant 0 : index
    %get3A_38 = vector.load %arg6[%get3A_36, %get3A_37] : memref<8x512xf32, #tpu.memory_space<vmem>>, vector<8x512xf32>
    %convert_element_type3A_39 = arith.truncf %get3A_38 : vector<8x512xf32> to vector<8x512xbf16>
    %convert_element_type3A_40 = arith.truncf %mul3A_35 : vector<512x512xf32> to vector<512x512xbf16>
    %dot_general3A_41 = arith.constant dense<0.000000e+00> : vector<8x512xf32>
    %dot_general3A_42 = tpu.matmul %convert_element_type3A_39, %convert_element_type3A_40, %dot_general3A_41 {dimension_numbers = #tpu.dot_dimension_numbers<[1], [1], [0], [0], [0, 0, 1, 0], [], []>, transpose_lhs_hint = false} : vector<8x512xbf16>, vector<512x512xbf16>, vector<8x512xf32> -> vector<8x512xf32>
    %get3A_43 = arith.constant 0 : index
    %get3A_44 = arith.constant 0 : index
    %get3A_45 = vector.load %arg7[%get3A_43, %get3A_44] : memref<8x1xf32, #tpu.memory_space<vmem>>, vector<8x1xf32>
    %add3A_46 = vector.broadcast %get3A_45 : vector<8x1xf32> to vector<8x512xf32>
    %add3A_47 = arith.addf %dot_general3A_42, %add3A_46 : vector<8x512xf32>
    %mul3A_48 = arith.constant 512 : i32
    %mul3A_49 = arith.muli %arg0, %mul3A_48 : i32
    %get3A_50 = arith.constant 0 : index
    %get3A_51 = arith.index_cast %mul3A_49 : i32 to index
    %get3A_52 = vector.load %arg10[%get3A_50, %get3A_51] : memref<8x4096xf32, #tpu.memory_space<vmem>>, vector<8x512xf32>
    %neg3A = arith.constant 0.000000e+00 : f32
    %neg3A_53 = arith.subf %neg3A, %get3A_3 : f32
    %mul3A_54 = vector.broadcast %neg3A_53 : f32 to vector<8x512xf32>
    %mul3A_55 = arith.mulf %get3A_52, %mul3A_54 : vector<8x512xf32>
    %add3A_56 = arith.addf %add3A_47, %mul3A_55 : vector<8x512xf32>
    %jit3A = arith.constant 4 : i32
    %div3A = arith.divsi %arg0, %jit3A : i32
    %sign3A = arith.constant 0 : i32
    %sign3A_57 = arith.cmpi sgt, %arg0, %sign3A : i32
    %sign3A_58 = arith.extui %sign3A_57 : i1 to i32
    %sign3A_59 = arith.constant 0 : i32
    %sign3A_60 = arith.cmpi slt, %arg0, %sign3A_59 : i32
    %sign3A_61 = arith.extui %sign3A_60 : i1 to i32
    %sign3A_62 = arith.subi %sign3A_58, %sign3A_61 : i32
    %sign3A_63 = arith.constant 0 : i32
    %sign3A_64 = arith.cmpi sgt, %jit3A, %sign3A_63 : i32
    %sign3A_65 = arith.extui %sign3A_64 : i1 to i32
    %sign3A_66 = arith.constant 0 : i32
    %sign3A_67 = arith.cmpi slt, %jit3A, %sign3A_66 : i32
    %sign3A_68 = arith.extui %sign3A_67 : i1 to i32
    %sign3A_69 = arith.subi %sign3A_65, %sign3A_68 : i32
    %ne3A = arith.cmpi ne, %sign3A_62, %sign3A_69 : i32
    %rem3A = arith.remsi %arg0, %jit3A : i32
    %ne3A_70 = arith.constant 0 : i32
    %ne3A_71 = arith.cmpi ne, %rem3A, %ne3A_70 : i32
    %and3A = arith.andi %ne3A, %ne3A_71 : i1
    %sub3A = arith.constant 1 : i32
    %sub3A_72 = arith.subi %div3A, %sub3A : i32
    %select_n3A = arith.select %and3A, %sub3A_72, %div3A : i32
    %jit3A_73 = arith.constant 4 : i32
    %eq3A_74 = arith.constant 0 : i32
    %eq3A_75 = arith.cmpi eq, %jit3A_73, %eq3A_74 : i32
    %jit3A_76 = arith.constant 1 : i32
    %select_n3A_77 = arith.select %eq3A_75, %jit3A_76, %jit3A_73 : i32
    %rem3A_78 = arith.remsi %arg0, %select_n3A_77 : i32
    %ne3A_79 = arith.constant 0 : i32
    %ne3A_80 = arith.cmpi ne, %rem3A_78, %ne3A_79 : i32
    %lt3A = arith.constant 0 : i32
    %lt3A_81 = arith.cmpi slt, %rem3A_78, %lt3A : i32
    %lt3A_82 = arith.constant 0 : i32
    %lt3A_83 = arith.cmpi slt, %select_n3A_77, %lt3A_82 : i32
    %ne3A_84 = arith.xori %lt3A_81, %lt3A_83 : i1
    %and3A_85 = arith.andi %ne3A_84, %ne3A_80 : i1
    %add3A_86 = arith.addi %rem3A_78, %select_n3A_77 : i32
    %select_n3A_87 = arith.select %and3A_85, %add3A_86, %rem3A_78 : i32
    %mul3A_88 = arith.constant 512 : i32
    %mul3A_89 = arith.muli %select_n3A_87, %mul3A_88 : i32
    %mul3A_90 = arith.constant 8 : i32
    %mul3A_91 = arith.muli %select_n3A, %mul3A_90 : i32
    %swap3A = arith.index_cast %mul3A_91 : i32 to index
    %swap3A_92 = arith.index_cast %mul3A_89 : i32 to index
    %swap3A_93 = vector.load %arg9[%swap3A, %swap3A_92] : memref<16x2048xf32, #tpu.memory_space<vmem>>, vector<8x512xf32>
    tpu.vector_store %arg9[%swap3A, %swap3A_92], %add3A_56 {strides = array<i32>} : memref<16x2048xf32, #tpu.memory_space<vmem>>, vector<8x512xf32>,
    return
  }
  func.func @transform_0(%arg0: i32) -> (i32, i32) {
    %c0_i32 = arith.constant 0 : i32
    %c0_i32_0 = arith.constant 0 : i32
    return %arg0, %c0_i32 : i32, i32
  }
  func.func @transform_1(%arg0: i32) -> (i32, i32) {
    %c0_i32 = arith.constant 0 : i32
    %c0_i32_0 = arith.constant 0 : i32
    %c0_i32_1 = arith.constant 0 : i32
    return %c0_i32, %c0_i32_0 : i32, i32
  }
  func.func @transform_2(%arg0: i32) -> (i32, i32) {
    %c0_i32 = arith.constant 0 : i32
    %c0_i32_0 = arith.constant 0 : i32
    %c0_i32_1 = arith.constant 0 : i32
    return %c0_i32, %c0_i32_0 : i32, i32
  }
  func.func @transform_3(%arg0: i32) -> (i32, i32) {
    %c0_i32 = arith.constant 0 : i32
    %c0_i32_0 = arith.constant 0 : i32
    %c0_i32_1 = arith.constant 0 : i32
    return %c0_i32, %c0_i32_0 : i32, i32
  }
  func.func @transform_4(%arg0: i32) -> (i32, i32) {
    %c0_i32 = arith.constant 0 : i32
    %c0_i32_0 = arith.constant 0 : i32
    %c0_i32_1 = arith.constant 0 : i32
    return %c0_i32, %c0_i32_0 : i32, i32
  }
  func.func @transform_5(%arg0: i32) -> (i32, i32) {
    %c0_i32 = arith.constant 0 : i32
    %c0_i32_0 = arith.constant 0 : i32
    %c0_i32_1 = arith.constant 0 : i32
    return %c0_i32, %c0_i32_0 : i32, i32
  }
  func.func @transform_6(%arg0: i32) -> (i32, i32) {
    %c0_i32 = arith.constant 0 : i32
    %c0_i32_0 = arith.constant 0 : i32
    %c0_i32_1 = arith.constant 0 : i32
    return %c0_i32, %c0_i32_0 : i32, i32
  }
  func.func @transform_7(%arg0: i32) -> (i32, i32) {
    %c0_i32 = arith.constant 0 : i32
    %c0_i32_0 = arith.constant 0 : i32
    %c0_i32_1 = arith.constant 0 : i32
    return %c0_i32, %c0_i32_0 : i32, i32
  }
  func.func @transform_8(%arg0: i32) -> (i32, i32) {
    %c0_i32 = arith.constant 0 : i32
    %c0_i32_0 = arith.constant 0 : i32
    %c0_i32_1 = arith.constant 0 : i32
    return %c0_i32, %c0_i32_0 : i32, i32
  }
}

</mosaic_0001>

<sc_bundles>
// kernel: kernel.5.cloned.1.call-start
scs
__scs_entry_jumppad:
0x0: {  	(pc) =	sbr.rel $0x88, $3  }
0x1: {  	(tag) =	ssettag $0x0;
	lr =	simm.s32 $0x1  }
0x2: {  	[smem:$0x3F99] =	sst lr;
	_ =	strace $0xD0000000  }
0x3: {  	_ = 	snop  }
0x4: {  	_ = 	snop  }
0x5: {  	_ = 	snop  }
0x6: {  	_ = 	snop  }
0x7: {  	_ = 	snop  }
__scs_overlays_trampoline_lowered:
0x8: {  	[smem:$0x3FA8] =	sst s0  }
0x9: {  	[smem:$0x3FA9] =	sst s1  }
0xa: {  	[smem:$0x3FAA] =	sst s2  }
0xb: {  	[smem:$0x3FAB] =	sst s3  }
0xc: {  	[smem:$0x3FAC] =	sst s4  }
0xd: {  	[smem:$0x3FAD] =	sst s5  }
0xe: {  	[smem:$0x3FAE] =	sst s6  }
0xf: {  	[smem:$0x3FAF] =	sst s7  }
0x10: {  	[smem:$0x3FB0] =	sst s8  }
0x11: {  	[smem:$0x3FB1] =	sst s9;
	s0 =	simm.s32 @!p0 $0x0  }
0x12: {  	s1 =	sld [smem:$0x3F97];
	s0 =	simm.s32 @p0 $0x1  }
0x13: {  	[smem:$0x3FB2] =	sst s0;
	s0 =	simm.s32 @!p1 $0x0  }
0x14: {  	s2 =	sld [smem:$0x3F96];
	s0 =	simm.s32 @p1 $0x1  }
0x15: {  	[smem:$0x3FB3] =	sst s0;
	s0 =	simm.s32 @!p2 $0x0  }
0x16: {  	s3 =	sld [smem:$0x3FDB];
	s0 =	simm.s32 @p2 $0x1  }
0x17: {  	s4 =	simm.s32 $0x1BF5;
	[smem:$0x3FB5] =	sst s0  }
0x18: {  	s0 =	sld [smem:$0x3F98];
	_ =	swait.ge [sflag:s4], $0x0  }
0x19: {  	s7 =	sld [smem:$0x3F99]  }
0x1a: {  	s8 =	sadd.s32 $0xFFFFE003, lr  }
0x1b: {  	s9 =	sadd.s32 $0xFFFFFEF7, lr;
	s5 =	simm.s32 $0xFFFFFFFF;
	p2 =	slt.u32 s8, $0xFFFFF086  }
0x1c: {  	p1 =	slt.u32 s9, $0xF7A;
	s5 =	simm.s32 @!p2 $0x0  }
0x1d: {  	s5 =	simm.s32 @p1 $0x1;
	p0 =	seq.s32 s7, s2  }
0x1e: {  	s7 =	smul.u32 @!p0 $0xF7A, s2;
	p2 =	seq.s32 @!p0 s5, $0x0  }
0x1f: {  	s9 =	smul.u32 $0xF7A, s1;
	s8 =	simm.s32 @!p0 $0x1BF5;
	p2 =	por !p2, p0  }
0x20: {  	[sflag:s8] =	ssyncset.s32 @!p0 $0xFFFFF086;
	s6 =	sadd.s32 @!p0 s3, s7;
	s7 =	simm.s32 @!p0 $0x108  }
0x21: {  	s3 =	sadd.s32 s3, s9;
	s6 =	sadd.s32 @!p0 $0x88, s6;
	s7 =	simm.s32 @p2 $0x1082  }
0x22: {  	[simem:s7], [sflag:s8] =	dma.local @!p0 [hbm:s6], $0xF7A  }
0x23: {  	s9 =	sor.u32 $0xD0000000, s2;
	s6 =	simm.s32 $0x108;
	_ =	swait.ge @!p0 [sflag:s8], $0x0  }
0x24: {  	s3 =	sadd.s32 $0x88, s3;
	s6 =	simm.s32 @!p1 $0x1082;
	[sflag:s4] =	ssyncset.s32 $0xFFFFF086  }
0x25: {  	[simem:s6], [sflag:s4] =	dma.local [hbm:s3], $0xF7A  }
0x26: {  	[smem:$0x3F99] =	sst s1;
	(tag) =	ssettag s2;
	_ =	strace s9  }
0x27: {  	s1 =	sld [smem:$0x3FA9]  }
0x28: {  	s2 =	sld [smem:$0x3FAA]  }
0x29: {  	s4 =	sld [smem:$0x3FAC]  }
0x2a: {  	p0 =	seq.s32 s5, $0x0;
	s5 =	sld [smem:$0x3FAD]  }
0x2b: {  	s6 =	sld [smem:$0x3FAE]  }
0x2c: {  	s7 =	sld [smem:$0x3FAF]  }
0x2d: {  	s3 =	simm.s32 $0x108;
	s8 =	sld [smem:$0x3FB0]  }
0x2e: {  	s3 =	simm.s32 @!p0 $0x1082;
	s9 =	sld [smem:$0x3FB1]  }
0x2f: {  	lr =	sadd.s32 s0, s3;
	s0 =	sld [smem:$0x3FA8]  }
0x30: {  	s3 =	sld [smem:$0x3FAB]  }
0x31: {  	[smem:$0x3FB4] =	sst s10  }
0x32: {  	s10 =	sld [smem:$0x3FB2];
	_ =	sdelay $0x3  }
0x33: {  	p0 =	seq.s32 s10, $0x1;
	s10 =	sld [smem:$0x3FB4];
	_ =	sdelay $0x3  }
0x34: {  	[smem:$0x3FB4] =	sst s10  }
0x35: {  	s10 =	sld [smem:$0x3FB3];
	_ =	sdelay $0x3  }
0x36: {  	p1 =	seq.s32 s10, $0x1;
	s10 =	sld [smem:$0x3FB4];
	_ =	sdelay $0x3  }
0x37: {  	[smem:$0x3FB4] =	sst s10  }
0x38: {  	s10 =	sld [smem:$0x3FB5]  }
0x39: {  	_ = 	snop;
	(pc) =	sbr.ind lr, $3  }
0x3a: {  	_ = 	snop  }
0x3b: {  	_ = 	snop  }
0x3c: {  	p2 =	seq.s32 s10, $0x1;
	s10 =	sld [smem:$0x3FB4]  }
0x3d: {  	_ =	shalt  }
0x3e: {  	_ =	shalt  }
0x3f: {  	_ =	shalt  }
0x40: {  	_ =	shalt  }
0x41: {  	_ =	shalt  }
0x42: {  	_ =	shalt  }
0x43: {  	_ =	shalt  }
0x44: {  	_ =	shalt  }
0x45: {  	_ =	shalt  }
0x46: {  	_ =	shalt  }
0x47: {  	_ =	shalt  }
0x48: {  	_ =	shalt  }
0x49: {  	_ =	shalt  }
0x4a: {  	_ =	shalt  }
0x4b: {  	_ =	shalt  }
0x4c: {  	_ =	shalt  }
0x4d: {  	_ =	shalt  }
0x4e: {  	_ =	shalt  }
0x4f: {  	_ =	shalt  }
0x50: {  	_ =	shalt  }
0x51: {  	_ =	shalt  }
0x52: {  	_ =	shalt  }
0x53: {  	_ =	shalt  }
0x54: {  	_ =	shalt  }
0x55: {  	_ =	shalt  }
0x56: {  	_ =	shalt  }
0x57: {  	_ =	shalt  }
0x58: {  	_ =	shalt  }
0x59: {  	_ =	shalt  }
0x5a: {  	_ =	shalt  }
0x5b: {  	_ =	shalt  }
0x5c: {  	_ =	shalt  }
0x5d: {  	_ =	shalt  }
0x5e: {  	_ =	shalt  }
0x5f: {  	_ =	shalt  }
0x60: {  	_ =	shalt  }
0x61: {  	_ =	shalt  }
0x62: {  	_ =	shalt  }
0x63: {  	_ =	shalt  }
0x64: {  	_ =	shalt  }
0x65: {  	_ =	shalt  }
0x66: {  	_ =	shalt  }
0x67: {  	_ =	shalt  }
0x68: {  	_ =	shalt  }
0x69: {  	_ =	shalt  }
0x6a: {  	_ =	shalt  }
0x6b: {  	_ =	shalt  }
0x6c: {  	_ =	shalt  }
0x6d: {  	_ =	shalt  }
0x6e: {  	_ =	shalt  }
0x6f: {  	_ =	shalt  }
0x70: {  	_ =	shalt  }
0x71: {  	_ =	shalt  }
0x72: {  	_ =	shalt  }
0x73: {  	_ =	shalt  }
0x74: {  	_ =	shalt  }
0x75: {  	_ =	shalt  }
0x76: {  	_ =	shalt  }
0x77: {  	_ =	shalt  }
0x78: {  	_ =	shalt  }
0x79: {  	_ =	shalt  }
0x7a: {  	_ =	shalt  }
0x7b: {  	_ =	shalt  }
0x7c: {  	_ =	shalt  }
0x7d: {  	_ =	shalt  }
0x7e: {  	_ =	shalt  }
0x7f: {  	_ =	shalt  }
0x80: {  	_ =	shalt  }
0x81: {  	_ =	shalt  }
0x82: {  	_ =	shalt  }
0x83: {  	_ =	shalt  }
0x84: {  	_ =	shalt  }
0x85: {  	_ =	shalt  }
0x86: {  	_ =	shalt  }
0x87: {  	_ =	shalt  }
.Lfunc_end0:
.L_simem_size_0:
called_computation_lowered:
.L_overlay_start_0:
0x88: {  	s2 =	sld [smem:$0x3FD9]  }
0x89: {  	s3 =	sld [smem:$0x3FFE];
	_ =	sdelay $0x1  }
0x8a: {  	s1 =	srdreg.scid  }
0x8b: {  	s0 =	sand.u32 $0x1, s1  }
0x8c: {  	s15 =	sshll.u32 s0, $0xA;
	s2 =	sadd.s32 s3, s2  }
0x8d: {  	s2 =	sadd.s32 s2, s15  }
0x8e: {  	[smem:$0x3FC0] =	sst s2  }
0x8f: {  	_ = 	snop  }
0x90: {  	s2 =	sld [smem:$0x3FD0];
	_ =	sdelay $0x2  }
0x91: {  	s16 =	simm.s32 $0xA;
	s4 =	simm.s32 $0x10  }
0x92: {  	[smem:s4], [sflag:s16] =	dma.local [hbm:s2], $0x1  }
0x93: {  	_ =	swait.eq [sflag:s16], $0x1  }
0x94: {  	[sflag:s16] =	ssyncset.done $0x0  }
0x95: {  	s17 =	sld [smem:$0x10];
	[sflag:s16] =	ssyncadd.s32 $0xFFFFFFFF  }
0x96: {  	s18 =	sld [smem:$0x11];
	(tm) =	ssettm $0x1  }
0x97: {  	s19 =	sld [smem:$0x3FFB];
	_ =	sdelay $0x3  }
0x98: {  	_ =	strace s19  }
0x99: {  	s4 =	sld [smem:$0x3FFC];
	_ =	sdelay $0x3  }
0x9a: {  	_ =	strace s4  }
0x9b: {  	s4 =	sld [smem:$0x3FFD];
	_ =	sdelay $0x3  }
0x9c: {  	_ =	strace s4  }
0x9d: {  	_ =	strace $0x8FFFFFFF  }
0x9e: {  	s20 =	sld [smem:$0x3FDB];
	_ =	sdelay $0x1  }
0x9f: {  	s5 =	simm.s32 $_scs_section_size  }
0xa0: {  	s6 =	simm.s32 $_size__tile_overlayer_lowered;
	s7 =	simm.s32 $_tile_overlayer_lowered  }
0xa1: {  	s23 =	simm.s32 $0x1BFF;
	s22 =	sshll.u32 s7, $0x1;
	s4 =	sadd.s32 s5, s20  }
0xa2: {  	s8 =	simm.s32 $0x0;
	s21 =	sshll.u32 s6, $0x1;
	s6 =	sadd.s32 s22, s4  }
0xa3: {  	[timem:s8], [sflag:s23] =	dma.local [hbm:s6], s21  }
0xa4: {  	_ =	swait.ge [sflag:s23], s21  }
0xa5: {  	s5 =	ssub.s32 $0x0, s21;
	[sflag:s23] =	ssyncset.done $0x0  }
0xa6: {  	[sflag:s23] =	ssyncadd.s32 s5;
	_ =	sdelay $0x1  }
0xa7: {  	s24 =	simm.s32 $0x1B8B  }
0xa8: {  	_ =	swait.ge [sflag:s24], $0x1  }
0xa9: {  	[sflag:s24] =	ssyncset.done $0x0  }
0xaa: {  	s25 =	simm.s32 $0x1B8E;
	[sflag:s24] =	ssyncadd.s32 $0xFFFFFFFF  }
0xab: {  	s26 =	simm.s32 $execute0_lowered;
	[smem:$0x3FD2] =	sst s25  }
0xac: {  	s5 =	sshll.u32 s26, $0x1;
	_ =	strace $0x80000046;
	[dreg:$0x1] =	wrdreg $0xFFFFFFFF  }
0xad: {  	s28 =	simm.s32 $_size_execute0_lowered;
	s4 =	sadd.s32 s4, s5;
	[dreg:$0x0] =	wrdreg $0x0  }
0xae: {  	s5 =	sshll.u32 s28, $0x1;
	[dreg:$0x2] =	wrdreg s4  }
0xaf: {  	[dreg:$0x3] =	wrdreg s5  }
0xb0: {  	[dreg:$0x4] =	wrdreg $0xC0  }
0xb1: {  	_ =	task [dreg:s8], $0x5FFFF  }
0xb2: {  	[dreg:$0x1] =	wrdreg $0xFFFFFFFF  }
0xb3: {  	[dreg:$0x0] =	wrdreg $0x60  }
0xb4: {  	[dreg:$0x2] =	wrdreg s18  }
0xb5: {  	[dreg:$0x3] =	wrdreg s17  }
0xb6: {  	[dreg:$0x4] =	wrdreg $0x9  }
0xb7: {  	_ =	task.clear_ibuf [dreg:s8], $0x5FFFF;
	_ =	strace $0x90000046  }
0xb8: {  	s29 =	simm.s32 $0x9;
	_ =	strace $0x80000048  }
0xb9: {  	_ =	swait.ge [sflag:s29], $0x1  }
0xba: {  	[sflag:s29] =	ssyncadd.s32 $0xFFFFFFFF  }
0xbb: {  	_ =	strace $0x90000048  }
0xbc: {  	_ =	sfence  }
0xbd: {  	s30 =	sld [smem:$0x0];
	_ =	sdelay $0x2  }
0xbe: {  	s31 =	sshll.u32 s1, $0xD;
	s1 =	sshrl.u32 s1, $0x2  }
0xbf: {  	s3 =	sand.u32 $0x4000, s31;
	s1 =	sadd.s32 s1, s30  }
0xc0: {  	s0 =	sor.u32 s3, s0;
	s1 =	sshll.u32 s1, $0x11  }
0xc1: {  	s0 =	sor.u32 s1, s0  }
0xc2: {  	s0 =	sadd.s32 $0x8F2B, s0  }
0xc3: {  	[sflag:s0] =	ssyncadd.remote.s32 $0x1  }
0xc4: {  	_ =	sfence.sel $0xFFFF  }
0xc5: {  	[dreg:$0x0] =	wrdreg $0xFFFFFFFF;
	(pc) =	sbr.abs _section_cstart, $3  }
0xc6: {  	[dreg:$0x1] =	wrdreg $0xFFFFFFFF  }
0xc7: {  	_ =	task.clear_ibuf [dreg:s8], $0x2FFFF;
	_ =	strace $0x9FFFFFFF  }
0xc8: {  	(tm) =	ssettm $0x7FFFFFFF  }
0xc9: {  	_ =	shalt  }
tec
execute0_lowered:
.L_overlay_start_1:
0x0: {  	(tag) =	ssettag $0x1  }
0x1: {  	s1 =	stileid.u32  }
0x2: {  	p0 =	sgt.u32 s1, $0x7  }
.Ltmp0:
0x3: {  	_ = 	snop;
	(pc) =	sbr.rel @p0 .LBB2_19-.Ltmp0, $4  }
0x4: {  	s4 =	rddreg [dreg:$0x0]  }
0x5: {  	s3 =	rddreg [dreg:$0x1];
	s2 =	simm.s32 $0x0  }
0x6: {  	[smem:$0x7FF] =	sst s2  }
0x7: {  	s0 =	rddreg [dreg:$0x2];
	_ =	strace $0x80000047  }
0x8: {  	s5 =	srdreg.scid  }
0x9: {  	s6 =	sshll.u32 s1, $0x5;
	s7 =	sshll.u32 s1, $0x9;
	s9 =	simm.s32 $0x40000000  }
0xa: {  	s10 =	simm.s32 $0x800;
	s11 =	simm.s32 $0x1000;
	s5 =	sand.u32 $0x1, s5  }
0xb: {  	s12 =	simm.s32 $0x0;
	s6 =	sand.u32 $0x60, s6;
	s8 =	sshll.u32 s5, $0x4  }
0xc: {  	s7 =	sand.u32 $0x800, s7;
	s5 =	ssub.s32 $0x2, s5;
	s6 =	sor.u32 s8, s6  }
0xd: {  	s31 =	sshrl.u32 s5, $0x1;
	s8 =	simm.s32 $0x1;
	s6 =	sor.u32 s7, s6  }
0xe: {  	s5 =	ssub.s32 s5, s31;
	s7 =	simm.s32 $0x400;
	s3 =	sadd.s32 s3, s6  }
0xf: {  	v0 =	vimm.s32 $0x80000000;
	v1 =	vlaneseq.u32;
	s4 =	sadd.s32 s4, s6;
	s5 =	smax.u32 s5, $0x1;
	s6 =	simm.s32 $0x80  }
.LBB2_2:
0x10: {  	[tilespmem:s2], [sflag:$0x1] =	stream.strided.gather [hbm4b:s4+s6], $0x800, s7, s6, $0x38;
	[tilespmem:$0x1800] =	vst v63  }
0x11: {  	_ =	swait.ge [sflag:s8], $0x800  }
0x12: {  	[sflag:s8] =	ssyncset.done $0x0  }
0x13: {  	s14 =	simm.s32 $0x40;
	[sflag:s8] =	ssyncadd.s32 $0xFFFFF800  }
0x14: {  	v3 =	vld [tilespmem:s14+$0x30]  }
0x15: {  	v6 =	vld [tilespmem:s14+$0xFFFFFFD0]  }
0x16: {  	v8 =	vld [tilespmem:s14+$0xFFFFFFE0]  }
0x17: {  	v7 =	vld [tilespmem:s14+$0xFFFFFFF0]  }
0x18: {  	v5 =	vld [tilespmem:s14+$0x0]  }
0x19: {  	v2 =	vimm.s32 $0x0;
	v4 =	vld [tilespmem:s14+$0x10];
	vm0 =	vlt.s32 v3, $0x0;
	v9 =	vsub.s32 $0x80000000, v3  }
0x1a: {  	s13 =	simm.s32 $0x840;
	vm1 =	vlt.s32 v6, $0x0;
	v10 =	vsub.s32 $0x80000000, v6;
	v9 =	vsel vm0, v9, v3;
	v3 =	vld [tilespmem:s14+$0x20]  }
0x1b: {  	v11 =	vsub.s32 $0x80000000, v8;
	v10 =	vsel vm1, v10, v6;
	vm0 =	vlt.s32 v8, $0x0;
	v6 =	vld [tilespmem:s14+$0xFFFFFFC0];
	[tilespmem:s13+$0x30] =	vst v9  }
0x1c: {  	s15 =	simm.s32 $0x0;
	s16 =	simm.s32 $0xC0;
	s14 =	simm.s32 $0x840;
	[tilespmem:s13+$0xFFFFFFD0] =	vst v10;
	v8 =	vsel vm0, v11, v8;
	vm0 =	vlt.s32 v7, $0x0;
	v9 =	vsub.s32 $0x80000000, v7  }
.LBB2_3:
0x1d: {  	v10 =	vld [tilespmem:s16+$0x30];
	s15 =	sadd.s32 $0x8, s15;
	[tilespmem:s14+$0xFFFFFFE0] =	vst v8;
	v7 =	vsel vm0, v9, v7;
	vm0 =	vlt.s32 v5, $0x0;
	v8 =	vsub.s32 $0x80000000, v5  }
0x1e: {  	v9 =	vld [tilespmem:s16+$0xFFFFFFD0];
	p0 =	slt.u32 s15, $0x78;
	[tilespmem:s14+$0xFFFFFFF0] =	vst v7;
	v5 =	vsel vm0, v8, v5;
	vm0 =	vlt.s32 v4, $0x0;
	v7 =	vsub.s32 $0x80000000, v4  }
0x1f: {  	v8 =	vld [tilespmem:s16+$0xFFFFFFE0];
	[tilespmem:s14+$0x0] =	vst v5;
	v4 =	vsel vm0, v7, v4;
	vm0 =	vlt.s32 v3, $0x0;
	v5 =	vsub.s32 $0x80000000, v3  }
0x20: {  	v7 =	vld [tilespmem:s16+$0xFFFFFFF0];
	vm1 =	vlt.s32 v6, $0x0;
	v11 =	vsub.s32 $0x80000000, v6;
	[tilespmem:s14+$0x10] =	vst v4;
	v3 =	vsel vm0, v5, v3  }
.Ltmp1:
0x21: {  	v5 =	vld [tilespmem:s16+$0x0];
	v6 =	vsel vm1, v11, v6;
	[tilespmem:s14+$0x20] =	vst v3;
	(pc) =	sbr.rel @p0 .LBB2_3-.Ltmp1, $4  }
0x22: {  	v4 =	vld [tilespmem:s16+$0x10];
	vm0 =	vlt.s32 v10, $0x0;
	v11 =	vsub.s32 $0x80000000, v10;
	[tilespmem:s14+$0xFFFFFFC0] =	vst v6  }
0x23: {  	s14 =	sadd.s32 $0x80, s14;
	vm1 =	vlt.s32 v9, $0x0;
	v12 =	vsub.s32 $0x80000000, v9;
	v3 =	vld [tilespmem:s16+$0x20];
	v10 =	vsel vm0, v11, v10  }
0x24: {  	v6 =	vld [tilespmem:s16+$0xFFFFFFC0];
	v9 =	vsel vm1, v12, v9;
	vm0 =	vlt.s32 v8, $0x0;
	v11 =	vsub.s32 $0x80000000, v8;
	[tilespmem:s14+$0x30] =	vst v10  }
0x25: {  	s16 =	sadd.s32 $0x80, s16;
	[tilespmem:s14+$0xFFFFFFD0] =	vst v9;
	v8 =	vsel vm0, v11, v8;
	vm0 =	vlt.s32 v7, $0x0;
	v9 =	vsub.s32 $0x80000000, v7  }
0x26: {  	[tilespmem:s14+$0xFFFFFFE0] =	vst v8;
	v7 =	vsel vm0, v9, v7;
	vm0 =	vlt.s32 v5, $0x0;
	v8 =	vsub.s32 $0x80000000, v5  }
0x27: {  	[tilespmem:s14+$0xFFFFFFF0] =	vst v7;
	v5 =	vsel vm0, v8, v5;
	vm0 =	vlt.s32 v4, $0x0;
	v7 =	vsub.s32 $0x80000000, v4  }
0x28: {  	[tilespmem:s14+$0x0] =	vst v5;
	v4 =	vsel vm0, v7, v4;
	vm0 =	vlt.s32 v3, $0x0;
	v5 =	vsub.s32 $0x80000000, v3  }
0x29: {  	vm1 =	vlt.s32 v6, $0x0;
	v7 =	vsub.s32 $0x80000000, v6;
	[tilespmem:s14+$0x10] =	vst v4;
	v3 =	vsel vm0, v5, v3  }
0x2a: {  	v4 =	vsel vm1, v7, v6;
	[tilespmem:s14+$0x20] =	vst v3  }
0x2b: {  	[tilespmem:s14+$0xFFFFFFC0] =	vst v4  }
0x2c: {  	v5 =	vld [tilespmem:s13+$0xFFFFFFC0]  }
0x2d: {  	v6 =	vld [tilespmem:s13+$0xFFFFFFD0]  }
0x2e: {  	v10 =	vld [tilespmem:s13+$0xFFFFFFE0]  }
0x2f: {  	v7 =	vld [tilespmem:s13+$0xFFFFFFF0]  }
0x30: {  	v4 =	vld [tilespmem:s13+$0x0]  }
0x31: {  	v3 =	vld [tilespmem:s13+$0x10];
	vm0 =	vgt.s32 v5, $0xFFFFFFFF  }
0x32: {  	vm1 =	vgt.s32 v6, $0xFFFFFFFF;
	v5 =	vld [tilespmem:s13+$0x20];
	v9 =	vmpcnt.ones.xlane vm0  }
0x33: {  	s14 =	simm.s32 $0x0;
	v6 =	vld [tilespmem:s13+$0x30];
	s13 =	simm.s32 $0x8C0;
	v8 =	vmpcnt.ones.xlane vm1;
	vm0 =	vgt.s32 v10, $0xFFFFFFFF  }
.LBB2_5:
0x34: {  	v10 =	vld [tilespmem:s13+$0xFFFFFFC0];
	s14 =	sadd.s32 $0x8, s14;
	v2 =	vadd.s32 v2, v9;
	v9 =	vmpcnt.ones.xlane vm0;
	vm0 =	vgt.s32 v7, $0xFFFFFFFF  }
0x35: {  	v11 =	vld [tilespmem:s13+$0xFFFFFFD0];
	p0 =	slt.u32 s14, $0x78;
	v2 =	vadd.s32 v8, v2;
	v8 =	vmpcnt.ones.xlane vm0;
	vm0 =	vgt.s32 v4, $0xFFFFFFFF  }
0x36: {  	v12 =	vld [tilespmem:s13+$0xFFFFFFE0];
	v2 =	vadd.s32 v9, v2;
	v9 =	vmpcnt.ones.xlane vm0;
	vm0 =	vgt.s32 v3, $0xFFFFFFFF  }
.Ltmp2:
0x37: {  	v7 =	vld [tilespmem:s13+$0xFFFFFFF0];
	v2 =	vadd.s32 v8, v2;
	v8 =	vmpcnt.ones.xlane vm0;
	vm0 =	vgt.s32 v5, $0xFFFFFFFF;
	(pc) =	sbr.rel @p0 .LBB2_5-.Ltmp2, $4  }
0x38: {  	v4 =	vld [tilespmem:s13+$0x0];
	v2 =	vadd.s32 v9, v2;
	v13 =	vmpcnt.ones.xlane vm0;
	vm0 =	vgt.s32 v6, $0xFFFFFFFF  }
0x39: {  	vm1 =	vgt.s32 v10, $0xFFFFFFFF;
	v3 =	vld [tilespmem:s13+$0x10];
	v2 =	vadd.s32 v8, v2;
	v10 =	vmpcnt.ones.xlane vm0  }
0x3a: {  	v9 =	vmpcnt.ones.xlane vm1;
	vm0 =	vgt.s32 v11, $0xFFFFFFFF;
	v5 =	vld [tilespmem:s13+$0x20];
	v2 =	vadd.s32 v13, v2  }
0x3b: {  	v8 =	vmpcnt.ones.xlane vm0;
	vm0 =	vgt.s32 v12, $0xFFFFFFFF;
	v6 =	vld [tilespmem:s13+$0x30];
	s13 =	sadd.s32 $0x80, s13;
	v2 =	vadd.s32 v10, v2  }
0x3c: {  	v2 =	vadd.s32 v2, v9;
	v62 =	vmpcnt.ones.xlane vm0;
	vm10 =	vgt.s32 v7, $0xFFFFFFFF  }
0x3d: {  	v2 =	vadd.s32 v8, v2;
	v7 =	vmpcnt.ones.xlane vm10;
	vm11 =	vgt.s32 v4, $0xFFFFFFFF  }
0x3e: {  	v2 =	vadd.s32 v62, v2;
	v4 =	vmpcnt.ones.xlane vm11;
	vm12 =	vgt.s32 v3, $0xFFFFFFFF  }
0x3f: {  	v2 =	vadd.s32 v7, v2;
	v3 =	vmpcnt.ones.xlane vm12;
	vm13 =	vgt.s32 v5, $0xFFFFFFFF  }
0x40: {  	v2 =	vadd.s32 v4, v2;
	v63 =	vmpcnt.ones.xlane vm13;
	vm14 =	vgt.s32 v6, $0xFFFFFFFF  }
0x41: {  	v2 =	vadd.s32 v3, v2;
	v3 =	vmpcnt.ones.xlane vm14  }
0x42: {  	v2 =	vadd.s32 v63, v2  }
0x43: {  	v2 =	vadd.s32 v3, v2  }
0x44: {  	vm15 =	vgt.s32 v2, $0x1FF  }
0x45: {  	s13 =	simm.s32 $0x0;
	v2 =	vsel vm15, $0x0, v0  }
.LBB2_7:
0x46: {  	s15 =	simm.s32 $0x840  }
0x47: {  	v5 =	vld [tilespmem:s15+$0xFFFFFFC0]  }
0x48: {  	v6 =	vld [tilespmem:s15+$0xFFFFFFD0]  }
0x49: {  	v8 =	vld [tilespmem:s15+$0xFFFFFFE0]  }
0x4a: {  	s14 =	sshrl.u32 s9, s13;
	v7 =	vld [tilespmem:s15+$0xFFFFFFF0]  }
0x4b: {  	v3 =	vor.u32 s14, v2;
	v4 =	vld [tilespmem:s15+$0x0]  }
0x4c: {  	vm0 =	vge.s32 v5, v3;
	v5 =	vld [tilespmem:s15+$0x10]  }
0x4d: {  	v9 =	vmpcnt.ones.xlane vm0;
	vm0 =	vge.s32 v6, v3;
	v6 =	vld [tilespmem:s15+$0x20]  }
0x4e: {  	v11 =	vimm.s32 $0x0;
	s14 =	simm.s32 $0x0;
	v10 =	vmpcnt.ones.xlane vm0;
	vm0 =	vge.s32 v8, v3;
	v8 =	vld [tilespmem:s15+$0x30];
	s15 =	simm.s32 $0x8C0  }
.LBB2_8:
0x4f: {  	v12 =	vld [tilespmem:s15+$0xFFFFFFC0];
	s14 =	sadd.s32 $0x8, s14;
	v9 =	vadd.s32 v11, v9;
	v11 =	vmpcnt.ones.xlane vm0;
	vm0 =	vge.s32 v7, v3  }
0x50: {  	v13 =	vld [tilespmem:s15+$0xFFFFFFD0];
	p0 =	slt.u32 s14, $0x78;
	v7 =	vadd.s32 v10, v9;
	v9 =	vmpcnt.ones.xlane vm0;
	vm0 =	vge.s32 v4, v3  }
0x51: {  	v14 =	vld [tilespmem:s15+$0xFFFFFFE0];
	v4 =	vadd.s32 v11, v7;
	v10 =	vmpcnt.ones.xlane vm0;
	vm0 =	vge.s32 v5, v3  }
.Ltmp3:
0x52: {  	v7 =	vld [tilespmem:s15+$0xFFFFFFF0];
	v5 =	vadd.s32 v9, v4;
	v9 =	vmpcnt.ones.xlane vm0;
	vm0 =	vge.s32 v6, v3;
	(pc) =	sbr.rel @p0 .LBB2_8-.Ltmp3, $4  }
0x53: {  	v4 =	vld [tilespmem:s15+$0x0];
	v6 =	vadd.s32 v10, v5;
	v10 =	vmpcnt.ones.xlane vm0;
	vm0 =	vge.s32 v8, v3  }
0x54: {  	vm1 =	vge.s32 v12, v3;
	v5 =	vld [tilespmem:s15+$0x10];
	v8 =	vadd.s32 v9, v6;
	v11 =	vmpcnt.ones.xlane vm0  }
0x55: {  	v9 =	vmpcnt.ones.xlane vm1;
	vm0 =	vge.s32 v13, v3;
	v6 =	vld [tilespmem:s15+$0x20];
	v12 =	vadd.s32 v10, v8  }
0x56: {  	v10 =	vmpcnt.ones.xlane vm0;
	vm0 =	vge.s32 v14, v3;
	v8 =	vld [tilespmem:s15+$0x30];
	s15 =	sadd.s32 $0x80, s15;
	v11 =	vadd.s32 v11, v12  }
0x57: {  	v9 =	vadd.s32 v11, v9;
	v58 =	vmpcnt.ones.xlane vm0;
	vm10 =	vge.s32 v7, v3  }
0x58: {  	v59 =	vadd.s32 v10, v9;
	v60 =	vmpcnt.ones.xlane vm10;
	vm11 =	vge.s32 v4, v3  }
0x59: {  	v61 =	vadd.s32 v58, v59;
	v62 =	vmpcnt.ones.xlane vm11;
	vm12 =	vge.s32 v5, v3  }
0x5a: {  	s13 =	sadd.s32 $0x1, s13;
	v4 =	vadd.s32 v60, v61;
	v5 =	vmpcnt.ones.xlane vm12;
	vm13 =	vge.s32 v6, v3  }
0x5b: {  	p0 =	sne.s32 s13, $0x1F;
	v4 =	vadd.s32 v62, v4;
	v6 =	vmpcnt.ones.xlane vm13;
	vm14 =	vge.s32 v8, v3  }
.Ltmp4:
0x5c: {  	v4 =	vadd.s32 v5, v4;
	v63 =	vmpcnt.ones.xlane vm14;
	(pc) =	sbr.rel @p0 .LBB2_7-.Ltmp4, $4  }
0x5d: {  	v4 =	vadd.s32 v6, v4  }
0x5e: {  	v4 =	vadd.s32 v63, v4  }
0x5f: {  	vm15 =	vgt.s32 v4, $0x1FF  }
0x60: {  	v2 =	vsel vm15, v3, v2  }
0x61: {  	s14 =	simm.s32 $0x840  }
0x62: {  	v4 =	vld [tilespmem:s14+$0xFFFFFFC0]  }
0x63: {  	v5 =	vld [tilespmem:s14+$0xFFFFFFD0]  }
0x64: {  	v7 =	vld [tilespmem:s14+$0xFFFFFFE0]  }
0x65: {  	v6 =	vld [tilespmem:s14+$0xFFFFFFF0]  }
0x66: {  	v3 =	vld [tilespmem:s14+$0x0]  }
0x67: {  	vm0 =	vgt.s32 v4, v2;
	v4 =	vld [tilespmem:s14+$0x10]  }
0x68: {  	v8 =	vmpcnt.ones.xlane vm0;
	vm0 =	vgt.s32 v5, v2;
	v5 =	vld [tilespmem:s14+$0x20]  }
0x69: {  	v10 =	vimm.s32 $0x0;
	s13 =	simm.s32 $0x0;
	v9 =	vmpcnt.ones.xlane vm0;
	vm0 =	vgt.s32 v7, v2;
	v7 =	vld [tilespmem:s14+$0x30];
	s14 =	simm.s32 $0x8C0  }
.LBB2_11:
0x6a: {  	v11 =	vld [tilespmem:s14+$0xFFFFFFC0];
	s13 =	sadd.s32 $0x8, s13;
	v8 =	vadd.s32 v10, v8;
	v10 =	vmpcnt.ones.xlane vm0;
	vm0 =	vgt.s32 v6, v2  }
0x6b: {  	v12 =	vld [tilespmem:s14+$0xFFFFFFD0];
	p0 =	slt.u32 s13, $0x78;
	v6 =	vadd.s32 v9, v8;
	v8 =	vmpcnt.ones.xlane vm0;
	vm0 =	vgt.s32 v3, v2  }
0x6c: {  	v13 =	vld [tilespmem:s14+$0xFFFFFFE0];
	v3 =	vadd.s32 v10, v6;
	v9 =	vmpcnt.ones.xlane vm0;
	vm0 =	vgt.s32 v4, v2  }
.Ltmp5:
0x6d: {  	v6 =	vld [tilespmem:s14+$0xFFFFFFF0];
	v4 =	vadd.s32 v8, v3;
	v8 =	vmpcnt.ones.xlane vm0;
	vm0 =	vgt.s32 v5, v2;
	(pc) =	sbr.rel @p0 .LBB2_11-.Ltmp5, $4  }
0x6e: {  	v3 =	vld [tilespmem:s14+$0x0];
	v5 =	vadd.s32 v9, v4;
	v9 =	vmpcnt.ones.xlane vm0;
	vm0 =	vgt.s32 v7, v2  }
0x6f: {  	vm1 =	vgt.s32 v11, v2;
	v4 =	vld [tilespmem:s14+$0x10];
	v7 =	vadd.s32 v8, v5;
	v10 =	vmpcnt.ones.xlane vm0  }
0x70: {  	v8 =	vmpcnt.ones.xlane vm1;
	vm0 =	vgt.s32 v12, v2;
	v5 =	vld [tilespmem:s14+$0x20];
	v11 =	vadd.s32 v9, v7  }
0x71: {  	v9 =	vmpcnt.ones.xlane vm0;
	vm0 =	vgt.s32 v13, v2;
	v7 =	vld [tilespmem:s14+$0x30];
	s14 =	sadd.s32 $0x80, s14;
	v10 =	vadd.s32 v10, v11  }
0x72: {  	v8 =	vadd.s32 v10, v8;
	v62 =	vmpcnt.ones.xlane vm0;
	vm11 =	vgt.s32 v6, v2  }
0x73: {  	v6 =	vadd.s32 v9, v8;
	v63 =	vmpcnt.ones.xlane vm11;
	vm12 =	vgt.s32 v3, v2  }
0x74: {  	v3 =	vadd.s32 v62, v6;
	v6 =	vmpcnt.ones.xlane vm12;
	vm13 =	vgt.s32 v4, v2  }
0x75: {  	v3 =	vadd.s32 v63, v3;
	v4 =	vmpcnt.ones.xlane vm13;
	vm14 =	vgt.s32 v5, v2  }
0x76: {  	v3 =	vadd.s32 v6, v3;
	v5 =	vmpcnt.ones.xlane vm14;
	vm15 =	vgt.s32 v7, v2  }
0x77: {  	v3 =	vadd.s32 v4, v3;
	v4 =	vmpcnt.ones.xlane vm15  }
0x78: {  	v3 =	vadd.s32 v5, v3  }
0x79: {  	v3 =	vadd.s32 v4, v3  }
0x7a: {  	s13 =	simm.s32 $0x0;
	v5 =	vimm.s32 $0x0;
	v4 =	vsub.s32 $0x200, v3;
	v3 =	vimm.s32 $0x0  }
.LBB2_13:
0x7b: {  	s15 =	simm.s32 $0x840  }
0x7c: {  	v7 =	vld [tilespmem:s15+$0x30]  }
0x7d: {  	v8 =	vld [tilespmem:s15+$0x20]  }
0x7e: {  	s16 =	sshrl.u32 s10, s13;
	s14 =	simm.s32 $0x70;
	s17 =	simm.s32 $0x60;
	v9 =	vld [tilespmem:s15+$0x10]  }
0x7f: {  	s29 =	simm.s32 $0x40;
	s18 =	simm.s32 $0x50;
	v6 =	vor.u32 s16, v3;
	v10 =	vor.u32 s14, v1;
	v11 =	vld [tilespmem:s15+$0x0];
	v12 =	vor.u32 s17, v1  }
0x80: {  	s30 =	simm.s32 $0x30;
	s19 =	simm.s32 $0x10;
	s20 =	simm.s32 $0x20;
	v13 =	vor.u32 s29, v1;
	v14 =	vor.u32 s18, v1;
	vm0 =	vlt.s32 v10, v6;
	v10 =	vld [tilespmem:s15+$0xFFFFFFC0]  }
0x81: {  	s31 =	simm.s32 $0x0;
	v15 =	vld [tilespmem:s15+$0xFFFFFFD0];
	v16 =	vor.u32 s19, v1;
	v17 =	vor.u32 s20, v1;
	v18 =	vor.u32 s30, v1  }
0x82: {  	v19 =	vor.u32 s31, v1;
	v20 =	vld [tilespmem:s15+$0xFFFFFFE0];
	vm4 =	vlt.s32 v14, v6;
	vm1 =	vlt.s32 v12, v6  }
0x83: {  	v63 =	vld [tilespmem:s15+$0xFFFFFFF0];
	vm5 =	vlt.s32 v17, v6;
	vm6 =	vlt.s32 v18, v6;
	vm7 =	vlt.s32 v13, v6  }
0x84: {  	vm8 =	vlt.s32 v19, v6;
	vm9 =	vlt.s32 v16, v6;
	vm2 =	veq.s32 v7, v2  }
0x85: {  	vm11 =	veq.s32 v9, v2;
	vm3 =	veq.s32 v8, v2;
	vm10 =	veq.s32 v10, v2  }
0x86: {  	vm12 =	veq.s32 v11, v2;
	vm8 =	vmand vm8, vm10;
	vm10 =	veq.s32 v15, v2  }
0x87: {  	vm14 =	veq.s32 v20, v2;
	v7 =	vmpcnt.ones.xlane vm8;
	vm13 =	vmand vm9, vm10  }
0x88: {  	vm15 =	veq.s32 v63, v2;
	vm5 =	vmand vm5, vm14;
	v8 =	vmpcnt.ones.xlane vm13  }
0x89: {  	v9 =	vmpcnt.ones.xlane vm5;
	vm5 =	vmand vm6, vm15;
	v7 =	vadd.s32 v5, v7  }
0x8a: {  	v8 =	vadd.s32 v8, v7;
	v7 =	vmpcnt.ones.xlane vm5;
	vm5 =	vmand vm7, vm12  }
0x8b: {  	s16 =	simm.s32 $0x8C0;
	s15 =	simm.s32 $0x0;
	vm4 =	vmand vm4, vm11;
	v9 =	vadd.s32 v9, v8;
	v8 =	vmpcnt.ones.xlane vm5  }
.LBB2_14:
0x8c: {  	v10 =	vld [tilespmem:s16+$0x30];
	v7 =	vadd.s32 v7, v9;
	v9 =	vmpcnt.ones.xlane vm4;
	vm1 =	vmand vm1, vm3  }
0x8d: {  	vm0 =	vmand vm0, vm2;
	s14 =	sadd.s32 $0x80, s14;
	v11 =	vld [tilespmem:s16+$0x20];
	v7 =	vadd.s32 v8, v7;
	v8 =	vmpcnt.ones.xlane vm1  }
0x8e: {  	s17 =	sadd.s32 $0xFFFFFFF0, s14;
	v13 =	vor.u32 s14, v1;
	v12 =	vld [tilespmem:s16+$0x10];
	v7 =	vadd.s32 v9, v7;
	v9 =	vmpcnt.ones.xlane vm0  }
0x8f: {  	s18 =	sadd.s32 $0xFFFFFFC0, s14;
	s19 =	sadd.s32 $0xFFFFFFD0, s14;
	s20 =	sadd.s32 $0xFFFFFFE0, s14;
	v15 =	vor.u32 s17, v1;
	vm0 =	vlt.s32 v13, v6;
	v14 =	vld [tilespmem:s16+$0x0];
	v7 =	vadd.s32 v8, v7  }
0x90: {  	s15 =	sadd.s32 $0x8, s15;
	s21 =	sadd.s32 $0xFFFFFFB0, s14;
	s17 =	sadd.s32 $0xFFFFFFA0, s14;
	v13 =	vor.u32 s19, v1;
	v16 =	vor.u32 s20, v1;
	v8 =	vld [tilespmem:s16+$0xFFFFFFC0];
	v7 =	vadd.s32 v9, v7  }
0x91: {  	p0 =	slt.u32 s15, $0x78;
	s19 =	sadd.s32 $0xFFFFFF90, s14;
	v18 =	vor.u32 s21, v1;
	v19 =	vor.u32 s18, v1;
	v17 =	vor.u32 s17, v1;
	v9 =	vld [tilespmem:s16+$0xFFFFFFD0]  }
0x92: {  	v20 =	vor.u32 s19, v1;
	vm4 =	vlt.s32 v16, v6;
	vm1 =	vlt.s32 v15, v6;
	v21 =	vld [tilespmem:s16+$0xFFFFFFE0]  }
0x93: {  	vm5 =	vlt.s32 v18, v6;
	vm6 =	vlt.s32 v19, v6;
	vm7 =	vlt.s32 v13, v6;
	v15 =	vld [tilespmem:s16+$0xFFFFFFF0]  }
0x94: {  	vm8 =	vlt.s32 v20, v6;
	vm9 =	vlt.s32 v17, v6;
	vm2 =	veq.s32 v10, v2  }
0x95: {  	vm3 =	veq.s32 v11, v2;
	vm11 =	veq.s32 v12, v2;
	vm10 =	veq.s32 v8, v2  }
0x96: {  	vm12 =	veq.s32 v14, v2;
	vm8 =	vmand vm8, vm10;
	vm10 =	veq.s32 v9, v2  }
.Ltmp6:
0x97: {  	v8 =	vmpcnt.ones.xlane vm8;
	vm8 =	vmand vm9, vm10;
	vm9 =	veq.s32 v21, v2;
	(pc) =	sbr.rel @p0 .LBB2_14-.Ltmp6, $4  }
0x98: {  	v9 =	vmpcnt.ones.xlane vm8;
	vm5 =	vmand vm5, vm9;
	vm8 =	veq.s32 v15, v2  }
0x99: {  	v7 =	vadd.s32 v7, v8;
	v8 =	vmpcnt.ones.xlane vm5;
	vm5 =	vmand vm6, vm8  }
0x9a: {  	v9 =	vadd.s32 v9, v7;
	v7 =	vmpcnt.ones.xlane vm5;
	vm5 =	vmand vm7, vm12  }
0x9b: {  	s16 =	sadd.s32 $0x80, s16;
	vm4 =	vmand vm4, vm11;
	v9 =	vadd.s32 v8, v9;
	v8 =	vmpcnt.ones.xlane vm5  }
0x9c: {  	v7 =	vadd.s32 v7, v9;
	v61 =	vmpcnt.ones.xlane vm4;
	vm1 =	vmand vm1, vm3  }
0x9d: {  	vm0 =	vmand vm0, vm2;
	s13 =	sadd.s32 $0x1, s13;
	v7 =	vadd.s32 v8, v7;
	v62 =	vmpcnt.ones.xlane vm1  }
0x9e: {  	v63 =	vmpcnt.ones.xlane vm0;
	p0 =	sne.s32 s13, $0xC;
	v7 =	vadd.s32 v61, v7  }
.Ltmp7:
0x9f: {  	v7 =	vadd.s32 v62, v7;
	(pc) =	sbr.rel @p0 .LBB2_13-.Ltmp7, $4  }
0xa0: {  	v7 =	vadd.s32 v63, v7  }
0xa1: {  	vm14 =	vlt.s32 v6, $0x801;
	vm15 =	vlt.s32 v7, v4  }
0xa2: {  	vm0 =	vmand vm14, vm15  }
0xa3: {  	v3 =	vsel vm0, v6, v3  }
0xa4: {  	s13 =	simm.s32 $0x40  }
0xa5: {  	v4 =	vld [tilespmem:s13+$0x30]  }
0xa6: {  	v5 =	vld [tilespmem:s13+$0xFFFFFFC0]  }
0xa7: {  	v6 =	vld [tilespmem:s13+$0xFFFFFFD0];
	_ =	sdelay $0x1  }
0xa8: {  	v7 =	vld [tilespmem:s13+$0xFFFFFFE0]  }
0xa9: {  	v8 =	vld [tilespmem:s13+$0xFFFFFFF0];
	v4 =	vsub.f32 $0.0e+00, v4  }
0xaa: {  	v9 =	vld [tilespmem:s13+$0x0];
	v5 =	vsub.f32 $0.0e+00, v5  }
0xab: {  	v10 =	vld [tilespmem:s13+$0x10];
	v6 =	vsub.f32 $0.0e+00, v6;
	v4 =	vmul.f32 $1.442695020e+00, v4  }
0xac: {  	v11 =	vld [tilespmem:s13+$0x20];
	v5 =	vmul.f32 $1.442695020e+00, v5  }
0xad: {  	v7 =	vsub.f32 $0.0e+00, v7;
	v6 =	vmul.f32 $1.442695020e+00, v6;
	(erf) = vpow2.f32 v4  }
0xae: {  	v8 =	vsub.f32 $0.0e+00, v8;
	(erf) = vpow2.f32 v5  }
0xaf: {  	v4 =	vmul.f32 $1.442695020e+00, v7;
	v7 =	vsub.f32 $0.0e+00, v9;
	(erf) = vpow2.f32 v6  }
0xb0: {  	v5 =	vmul.f32 $1.442695020e+00, v8;
	v8 =	vsub.f32 $0.0e+00, v10  }
0xb1: {  	v6 =	vmul.f32 $1.442695020e+00, v7;
	v7 =	vsub.f32 $0.0e+00, v11  }
0xb2: {  	(erf) = vpow2.f32 v4;
	v4 =	vmul.f32 $1.442695020e+00, v8  }
0xb3: {  	(erf) = vpow2.f32 v5;
	v5 =	vmul.f32 $1.442695020e+00, v7  }
0xb4: {  	(erf) = vpow2.f32 v6  }
0xb5: {  	(erf) = vpow2.f32 v4  }
0xb6: {  	(erf) = vpow2.f32 v5;
	v4 =	vpop (erf)  }
0xb7: {  	s14 =	simm.s32 $0x840;
	v5 =	vpop (erf)  }
0xb8: {  	v9 =	vld [tilespmem:s14+$0x30];
	v5 =	vadd.f32 $1.000000000e+00, v5;
	v6 =	vpop (erf)  }
0xb9: {  	v4 =	vadd.f32 $1.000000000e+00, v4;
	v6 =	vadd.f32 $1.000000000e+00, v6;
	_ =	sdelay $0x1  }
0xba: {  	v7 =	vpop (erf);
	(erf) = vrcp.f32 v4  }
0xbb: {  	v4 =	vadd.f32 $1.000000000e+00, v7;
	(erf) = vrcp.f32 v5;
	v5 =	vpop (erf)  }
0xbc: {  	vm0 =	veq.s32 v9, v2;
	(erf) = vrcp.f32 v6;
	v5 =	vadd.f32 $1.000000000e+00, v5;
	v6 =	vpop (erf)  }
0xbd: {  	vm2 =	vgt.s32 v9, v2;
	v9 =	vld [tilespmem:s14+$0x10];
	(erf) = vrcp.f32 v4;
	v6 =	vadd.f32 $1.000000000e+00, v6;
	v7 =	vpop (erf)  }
0xbe: {  	v4 =	vld [tilespmem:s14+$0xFFFFFFC0];
	v7 =	vadd.f32 $1.000000000e+00, v7;
	(erf) = vrcp.f32 v5;
	v8 =	vpop (erf)  }
0xbf: {  	s15 =	simm.s32 $0x70;
	v5 =	vld [tilespmem:s14+$0xFFFFFFD0];
	v8 =	vadd.f32 $1.000000000e+00, v8;
	(erf) = vrcp.f32 v6  }
0xc0: {  	v10 =	vor.u32 s15, v1;
	v6 =	vld [tilespmem:s14+$0xFFFFFFE0];
	(erf) = vrcp.f32 v7  }
0xc1: {  	s16 =	simm.s32 $0x10;
	vm1 =	vle.s32 v10, v3;
	v7 =	vld [tilespmem:s14+$0xFFFFFFF0];
	(erf) = vrcp.f32 v8  }
0xc2: {  	s17 =	simm.s32 $0x20;
	s18 =	simm.s32 $0x0;
	s20 =	simm.s32 $0x30;
	v12 =	vor.u32 s16, v1;
	vm0 =	vmand vm1, vm0;
	v8 =	vld [tilespmem:s14+$0x0]  }
0xc3: {  	s21 =	simm.s32 $0x40;
	s19 =	simm.s32 $0x60;
	s13 =	simm.s32 $0x1040;
	v16 =	vor.u32 s18, v1;
	v13 =	vor.u32 s17, v1;
	v10 =	vld [tilespmem:s14+$0x20];
	vm0 =	vmor vm2, vm0;
	v11 =	vpop (erf)  }
0xc4: {  	s16 =	simm.s32 $0x0;
	s18 =	simm.s32 $0x50;
	v14 =	vor.u32 s20, v1;
	v15 =	vor.u32 s21, v1;
	s17 =	simm.s32 $0xC0;
	v17 =	vnsel vm0, $0x0, v11;
	v11 =	vpop (erf)  }
.LBB2_17:
0xc5: {  	v18 =	vld [tilespmem:s17+$0x30];
	s16 =	sadd.s32 $0x8, s16;
	vm0 =	veq.s32 v4, v2;
	v19 =	vor.u32 s18, v1;
	v20 =	vor.u32 s19, v1;
	[tilespmem:s13+$0x30] =	vst v17;
	v17 =	vpop (erf)  }
0xc6: {  	vm3 =	veq.s32 v5, v2;
	vm4 =	veq.s32 v6, v2;
	vm5 =	veq.s32 v7, v2;
	v21 =	vld [tilespmem:s17+$0xFFFFFFC0];
	p0 =	slt.u32 s16, $0x78;
	v22 =	vpop (erf)  }
0xc7: {  	vm8 =	vle.s32 v16, v3;
	vm6 =	veq.s32 v8, v2;
	v23 =	vld [tilespmem:s17+$0xFFFFFFD0];
	vm1 =	veq.s32 v9, v2;
	v16 =	vpop (erf)  }
0xc8: {  	vm9 =	vle.s32 v12, v3;
	vm10 =	vle.s32 v13, v3;
	v24 =	vld [tilespmem:s17+$0xFFFFFFE0];
	vm2 =	veq.s32 v10, v2;
	v12 =	vpop (erf)  }
0xc9: {  	vm11 =	vle.s32 v14, v3;
	vm12 =	vle.s32 v15, v3;
	vm7 =	vle.s32 v19, v3;
	v13 =	vld [tilespmem:s17+$0xFFFFFFF0];
	v14 =	vpop (erf)  }
0xca: {  	vm0 =	vmand vm8, vm0;
	vm8 =	vle.s32 v20, v3;
	v15 =	vld [tilespmem:s17+$0x0];
	v18 =	vsub.f32 $0.0e+00, v18;
	v19 =	vpop (erf)  }
0xcb: {  	vm3 =	vmand vm9, vm3;
	vm4 =	vmand vm10, vm4;
	v20 =	vsub.f32 $0.0e+00, v21;
	v21 =	vld [tilespmem:s17+$0x10]  }
0xcc: {  	vm5 =	vmand vm11, vm5;
	v23 =	vsub.f32 $0.0e+00, v23;
	v25 =	vld [tilespmem:s17+$0x20];
	v18 =	vmul.f32 $1.442695020e+00, v18  }
0xcd: {  	vm6 =	vmand vm12, vm6;
	v20 =	vmul.f32 $1.442695020e+00, v20;
	v24 =	vsub.f32 $0.0e+00, v24  }
0xce: {  	v23 =	vmul.f32 $1.442695020e+00, v23;
	v13 =	vsub.f32 $0.0e+00, v13;
	(erf) = vpow2.f32 v18  }
0xcf: {  	v18 =	vmul.f32 $1.442695020e+00, v24;
	v15 =	vsub.f32 $0.0e+00, v15;
	(erf) = vpow2.f32 v20  }
0xd0: {  	v13 =	vmul.f32 $1.442695020e+00, v13;
	v20 =	vsub.f32 $0.0e+00, v21;
	(erf) = vpow2.f32 v23  }
0xd1: {  	v15 =	vmul.f32 $1.442695020e+00, v15;
	v21 =	vsub.f32 $0.0e+00, v25;
	(erf) = vpow2.f32 v18  }
0xd2: {  	vm1 =	vmand vm7, vm1;
	v18 =	vmul.f32 $1.442695020e+00, v20;
	(erf) = vpow2.f32 v13  }
0xd3: {  	vm7 =	vmand vm8, vm2;
	v13 =	vmul.f32 $1.442695020e+00, v21;
	(erf) = vpow2.f32 v15  }
0xd4: {  	vm2 =	vgt.s32 v4, v2;
	vm8 =	vgt.s32 v5, v2;
	(erf) = vpow2.f32 v18  }
0xd5: {  	vm9 =	vgt.s32 v6, v2;
	vm10 =	vgt.s32 v7, v2;
	(erf) = vpow2.f32 v13  }
0xd6: {  	vm11 =	vgt.s32 v8, v2;
	vm12 =	vgt.s32 v9, v2;
	vm13 =	vgt.s32 v10, v2  }
0xd7: {  	vm4 =	vmor vm9, vm4;
	vm14 =	vmor vm2, vm0;
	vm3 =	vmor vm8, vm3;
	v4 =	vpop (erf)  }
0xd8: {  	vm5 =	vmor vm10, vm5;
	vm2 =	vmor vm11, vm6;
	v4 =	vadd.f32 $1.000000000e+00, v4;
	v5 =	vpop (erf)  }
0xd9: {  	vm1 =	vmor vm12, vm1;
	vm0 =	vmor vm13, vm7;
	v8 =	vadd.f32 $1.000000000e+00, v5;
	v6 =	vpop (erf)  }
0xda: {  	v6 =	vadd.f32 $1.000000000e+00, v6;
	v7 =	vpop (erf);
	(erf) = vrcp.f32 v4;
	v4 =	vnsel vm14, $0x0, v11  }
0xdb: {  	s14 =	sadd.s32 $0x80, s14;
	v11 =	vadd.f32 $1.000000000e+00, v7;
	(erf) = vrcp.f32 v8;
	v5 =	vpop (erf);
	[tilespmem:s13+$0xFFFFFFC0] =	vst v4;
	v4 =	vnsel vm3, $0x0, v17  }
0xdc: {  	v8 =	vadd.f32 $1.000000000e+00, v5;
	v10 =	vld [tilespmem:s14+$0x30];
	(erf) = vrcp.f32 v6;
	v5 =	vpop (erf);
	[tilespmem:s13+$0xFFFFFFD0] =	vst v4;
	v6 =	vnsel vm4, $0x0, v22  }
0xdd: {  	v4 =	vld [tilespmem:s14+$0xFFFFFFC0];
	v9 =	vadd.f32 $1.000000000e+00, v5;
	(erf) = vrcp.f32 v11;
	v7 =	vpop (erf);
	[tilespmem:s13+$0xFFFFFFE0] =	vst v6;
	v6 =	vnsel vm5, $0x0, v16  }
0xde: {  	s15 =	sadd.s32 $0x80, s15;
	v5 =	vld [tilespmem:s14+$0xFFFFFFD0];
	v11 =	vadd.f32 $1.000000000e+00, v7;
	(erf) = vrcp.f32 v8;
	v7 =	vpop (erf);
	[tilespmem:s13+$0xFFFFFFF0] =	vst v6;
	v8 =	vnsel vm2, $0x0, v12  }
0xdf: {  	s20 =	sadd.s32 $0xFFFFFFA0, s15;
	v6 =	vld [tilespmem:s14+$0xFFFFFFE0];
	v12 =	vadd.f32 $1.000000000e+00, v7;
	(erf) = vrcp.f32 v9;
	[tilespmem:s13+$0x0] =	vst v8;
	v8 =	vnsel vm1, $0x0, v14  }
.Ltmp8:
0xe0: {  	s21 =	sadd.s32 $0xFFFFFFB0, s15;
	s22 =	sadd.s32 $0xFFFFFFC0, s15;
	v9 =	vor.u32 s15, v1;
	v7 =	vld [tilespmem:s14+$0xFFFFFFF0];
	(erf) = vrcp.f32 v11;
	[tilespmem:s13+$0x10] =	vst v8;
	v11 =	vnsel vm0, $0x0, v19;
	(pc) =	sbr.rel @p0 .LBB2_17-.Ltmp8, $4  }
0xe1: {  	s23 =	sadd.s32 $0xFFFFFFD0, s15;
	s18 =	sadd.s32 $0xFFFFFFE0, s15;
	s19 =	sadd.s32 $0xFFFFFFF0, s15;
	vm1 =	vle.s32 v9, v3;
	v8 =	vld [tilespmem:s14+$0x0];
	vm0 =	veq.s32 v10, v2;
	(erf) = vrcp.f32 v12;
	[tilespmem:s13+$0x20] =	vst v11  }
0xe2: {  	s24 =	sadd.s32 $0xFFFFFF90, s15;
	v12 =	vor.u32 s20, v1;
	vm2 =	vgt.s32 v10, v2;
	v9 =	vld [tilespmem:s14+$0x10];
	vm0 =	vmand vm1, vm0  }
0xe3: {  	v13 =	vor.u32 s21, v1;
	v16 =	vor.u32 s24, v1;
	v10 =	vld [tilespmem:s14+$0x20];
	vm0 =	vmor vm2, vm0;
	v11 =	vpop (erf)  }
0xe4: {  	s17 =	sadd.s32 $0x80, s17;
	v15 =	vor.u32 s23, v1;
	v14 =	vor.u32 s22, v1;
	s13 =	sadd.s32 $0x80, s13;
	v17 =	vnsel vm0, $0x0, v11;
	v11 =	vpop (erf)  }
0xe5: {  	vm0 =	veq.s32 v4, v2;
	v18 =	vor.u32 s18, v1;
	v19 =	vor.u32 s19, v1  }
0xe6: {  	vm1 =	veq.s32 v5, v2;
	vm2 =	veq.s32 v6, v2;
	vm3 =	veq.s32 v7, v2  }
0xe7: {  	vm4 =	vle.s32 v16, v3;
	vm7 =	vle.s32 v12, v3;
	vm8 =	vle.s32 v13, v3  }
0xe8: {  	vm10 =	vle.s32 v14, v3;
	vm11 =	vle.s32 v15, v3;
	vm14 =	vgt.s32 v4, v2  }
0xe9: {  	vm15 =	vgt.s32 v5, v2;
	vm5 =	veq.s32 v8, v2;
	vm12 =	vle.s32 v18, v3  }
0xea: {  	vm0 =	vmand vm4, vm0;
	vm13 =	vle.s32 v19, v3;
	vm1 =	vmand vm7, vm1  }
0xeb: {  	vm2 =	vmand vm8, vm2;
	vm3 =	vmand vm10, vm3;
	vm6 =	veq.s32 v9, v2  }
0xec: {  	vm5 =	vmand vm11, vm5;
	vm0 =	vmor vm14, vm0;
	vm11 =	vgt.s32 v6, v2  }
0xed: {  	v3 =	vpop (erf);
	vm1 =	vmor vm15, vm1;
	vm9 =	veq.s32 v10, v2;
	vm6 =	vmand vm12, vm6  }
0xee: {  	[tilespmem:s13+$0x30] =	vst v17;
	v60 =	vpop (erf);
	vm12 =	vgt.s32 v7, v2;
	vm2 =	vmor vm11, vm2;
	v3 =	vnsel vm1, $0x0, v3  }
0xef: {  	v59 =	vnsel vm0, $0x0, v11;
	v61 =	vpop (erf);
	vm0 =	vmor vm12, vm3;
	[tilespmem:s13+$0xFFFFFFD0] =	vst v3;
	v3 =	vnsel vm2, $0x0, v60  }
0xf0: {  	vm4 =	vmand vm13, vm9;
	vm13 =	vgt.s32 v8, v2;
	[tilespmem:s13+$0xFFFFFFE0] =	vst v3;
	v3 =	vnsel vm0, $0x0, v61  }
0xf1: {  	vm14 =	vgt.s32 v9, v2;
	[tilespmem:s13+$0xFFFFFFC0] =	vst v59;
	v62 =	vpop (erf);
	vm1 =	vmor vm13, vm5  }
0xf2: {  	vm15 =	vgt.s32 v10, v2;
	vm2 =	vmor vm14, vm6;
	v63 =	vpop (erf);
	[tilespmem:s13+$0xFFFFFFF0] =	vst v3;
	v2 =	vnsel vm1, $0x0, v62  }
0xf3: {  	s12 =	sadd.s32 $0x1, s12;
	vm0 =	vmor vm15, vm4;
	[tilespmem:s13+$0x0] =	vst v2;
	v2 =	vnsel vm2, $0x0, v63;
	v3 =	vpop (erf)  }
0xf4: {  	p0 =	sne.s32 s12, s5;
	[tilespmem:s13+$0x10] =	vst v2;
	v2 =	vnsel vm0, $0x0, v3  }
.Ltmp9:
0xf5: {  	[tilespmem:s13+$0x20] =	vst v2;
	(pc) =	sbr.rel @p0 .LBB2_2-.Ltmp9, $4  }
0xf6: {  	[hbm4b:s3+s6] =	stream.strided.scatter [tilespmem:s11], [sflag:$0x1], $0x800, s7, s6, $0x38;
	[tilespmem:$0x1800] =	vst v63  }
0xf7: {  	_ =	swait.ge [sflag:s8], $0x800  }
0xf8: {  	[sflag:s8] =	ssyncset.done $0x0  }
0xf9: {  	[sflag:s8] =	ssyncadd.s32 $0xFFFFF800  }
.LBB2_19:
0xfa: {  	_ =	sfence.sel $0x180000  }
0xfb: {  	[bflag:$0x0] =	sbarrier.arrive $0xFFFF  }
0xfc: {  	p0 =	sne.s32 s1, $0x0;
	_ =	strace $0x90000047  }
0xfd: {  	s0 =	sadd.s32 @!p0 $0x100000, s0;
	[bflag:$0x2] =	sbarrier.arrive $0xFFFF  }
0xfe: {  	[sflag:s0] =	ssyncadd.tile.s32 @!p0 $0x1;
	_ =	shalt  }
.Lfunc_end2:
_tile_overlayer_lowered:
.L_overlay_start_2:
0xff: {  	(tag) =	ssettag $0x2  }
0x100: {  	s0 =	rddreg [dreg:$0x0];
	s2 =	stileid.u32  }
0x101: {  	s1 =	rddreg [dreg:$0x1];
	p0 =	sne.s32 s2, $0x0  }
0x102: {  	s3 =	rddreg [dreg:$0x2];
	[bflag:$0x3] =	sbarrier.arrive $0xFFFF;
	s2 =	simm.s32 @!p0 $0x1C01  }
0x103: {  	[timem:s3], [sflag:s2] =	dma.local @!p0 [hbm:s0], s1  }
0x104: {  	s0 =	simm.s32 @!p0 $0x1  }
0x105: {  	_ =	swait.ge @!p0 [sflag:s0], s1  }
0x106: {  	s1 =	ssub.s32 @!p0 $0x0, s1;
	[sflag:s0] =	ssyncset.done @!p0 $0x0  }
0x107: {  	[sflag:s0] =	ssyncadd.s32 @!p0 s1  }
0x108: {  	[bflag:$0x3] =	sbarrier.arrive $0xFFFF  }
0x109: {  	_ =	shalt  }

</sc_bundles>
